<compile_context>
chip_gen: v7x
topology: tpu7x:2x2x1
jax: 0.10.2.dev20260603
libtpu: 0.0.44.dev20260713+nightly
codegen_flags: <defaults>
</compile_context>

<pallas_src>
import jax
import jax.numpy as jnp
from jax import lax
from jax.experimental import pallas as pl
from jax.experimental.pallas import tpu as pltpu
from jax.experimental.pallas import tpu_sc as plsc

K = 64
I = 100000
B = 50
CW = 3200
TAILW = 896
LAM2 = 2.0 * 1e-4


def _body(y_hbm, ids_hbm, like_hbm, x_hbm, out_hbm,
          zbuf, ids_v, like_v, x_v, yblk, oblk, psum,
          sem_in, sem_zero, sem_g, sem_s):
    wid = lax.axis_index("c") * 16 + lax.axis_index("s")
    olo = wid * CW
    ohi = jnp.minimum(olo + CW, I)

    h_ids = pltpu.async_copy(ids_hbm, ids_v.at[pl.ds(0, B)], sem_in)
    h_like = pltpu.async_copy(like_hbm, like_v.at[pl.ds(0, B)], sem_in)
    h_x = pltpu.async_copy(x_hbm, x_v, sem_in)

    zeros16 = jnp.zeros((16,), jnp.float32)
    zidx = jnp.zeros((16,), jnp.int32)
    iota = lax.broadcasted_iota(jnp.int32, (16,), 0)

    def memset(i, c):
        for r in range(8):
            zbuf[r, pl.ds(i * 16, 16)] = zeros16
        return c

    lax.fori_loop(0, CW // 16, memset, 0)

    def zero_fire(base, width):
        for r in range(8):
            pltpu.async_copy(zbuf.at[pl.ds(0, 8), pl.ds(0, width)],
                             out_hbm.at[pl.ds(r * 8, 8), pl.ds(base, width)],
                             sem_zero)

    def zero_drain(base, width):
        for r in range(8):
            pltpu.make_async_copy(
                zbuf.at[pl.ds(0, 8), pl.ds(0, width)],
                out_hbm.at[pl.ds(r * 8, 8), pl.ds(base, width)],
                sem_zero).wait()

    h_ids.wait()
    h_like.wait()
    h_x.wait()

    xcs = [x_v[pl.ds(16 * ch, 16)] for ch in range(4)]

    @pl.when(wid < 31)
    def _():
        zero_fire(pl.multiple_of(wid * CW, 128), CW)

    @pl.when(wid == 31)
    def _():
        zero_fire(pl.multiple_of(wid * CW, 128), TAILW)

    @pl.when(wid < 31)
    def _():
        zero_drain(pl.multiple_of(wid * CW, 128), CW)

    @pl.when(wid == 31)
    def _():
        zero_drain(pl.multiple_of(wid * CW, 128), TAILW)

    def per_item(b, c):
        mid = ids_v[pl.ds(b, 16)][0]

        @pl.when(jnp.logical_and(mid >= olo, mid < ohi))
        def _():
            col0 = pl.multiple_of((mid // 128) * 128, 128)
            cols = (mid - col0) + zidx
            pltpu.async_copy(y_hbm.at[pl.ds(0, K), pl.ds(col0, 128)],
                             yblk, sem_g)
            pltpu.async_copy(out_hbm.at[pl.ds(0, K), pl.ds(col0, 128)],
                             oblk, sem_g)
            pltpu.make_async_copy(y_hbm.at[pl.ds(0, K), pl.ds(col0, 128)],
                                  yblk, sem_g).wait()
            pltpu.make_async_copy(out_hbm.at[pl.ds(0, K), pl.ds(col0, 128)],
                                  oblk, sem_g).wait()
            ycs = [plsc.load_gather(yblk, [iota + 16 * ch, cols])
                   for ch in range(4)]
            psum[pl.ds(0, 16)] = zeros16
            for ch in range(4):
                plsc.addupdate_scatter(psum, [zidx], xcs[ch] * ycs[ch])
            pred = psum[pl.ds(0, 16)][0]
            coeff = (pred - like_v[pl.ds(b, 16)][0]) * jnp.float32(2.0 / B)
            for ch in range(4):
                gc = coeff * xcs[ch] + jnp.float32(LAM2 / B) * ycs[ch]
                plsc.store_scatter(oblk, [iota + 16 * ch, cols], gc)
            pltpu.async_copy(oblk,
                             out_hbm.at[pl.ds(0, K), pl.ds(col0, 128)],
                             sem_s).wait()

        return c

    lax.fori_loop(0, B, per_item, 0)


_call = pl.kernel(
    _body,
    out_type=jax.ShapeDtypeStruct((K, I), jnp.float32),
    mesh=plsc.VectorSubcoreMesh(core_axis_name="c", subcore_axis_name="s"),
    compiler_params=pltpu.CompilerParams(needs_layout_passes=False,
                                         use_tc_tiling_on_sc=True),
    scratch_types=[
        pltpu.VMEM((8, CW), jnp.float32),
        pltpu.VMEM((80,), jnp.int32),
        pltpu.VMEM((80,), jnp.float32),
        pltpu.VMEM((64,), jnp.float32),
        pltpu.VMEM((K, 128), jnp.float32),
        pltpu.VMEM((K, 128), jnp.float32),
        pltpu.VMEM((16,), jnp.float32),
        pltpu.SemaphoreType.DMA,
        pltpu.SemaphoreType.DMA,
        pltpu.SemaphoreType.DMA,
        pltpu.SemaphoreType.DMA,
    ],
)


def kernel(global_Y, movie_ids, is_like, X):
    return _call(global_Y, movie_ids, is_like, X.reshape(-1))

# --- scband reference (transcript-rebuilt; emitter-appended) ---
"""Pipeline reference for scband-fcfclient-58909771431936 (READ-ONLY COPY).

The authoritative reference and input builder live on the scoring server;
editing this copy changes nothing except your own understanding.
"""

import jax, jax.numpy as jnp
import numpy as np

LAMBDA_REG = 1e-4

def setup_inputs(seed: int = 0) -> dict:
    key = jax.random.key(seed)
    k1, k2, k3, k4 = jax.random.split(key, 4)
    K, I, B = 64, 100000, 50
    global_Y = jax.random.normal(k1, (K, I), dtype=jnp.float32) * 0.01
    movie_ids = jax.random.randint(k2, (B,), 0, I, dtype=jnp.int32)
    is_like = (jax.random.uniform(k3, (B,), dtype=jnp.float32) < 0.5).astype(jnp.float32)
    X = jax.random.normal(k4, (1, K), dtype=jnp.float32) * 0.01
    return {"global_Y": global_Y, "movie_ids": movie_ids, "is_like": is_like, "X": X}

def reference(global_Y, movie_ids, is_like, X):
    # compute_y_gradient: gather item columns, compute per-item gradient, scatter-overwrite into zero memory
    B = movie_ids.shape[0]
    Y_cols = jnp.take(global_Y, movie_ids, axis=1)              # gather: [K, B]
    pred = jnp.matmul(X, Y_cols)                                 # [1, B]
    grad = 2.0 * (pred - is_like[None, :]) * X.T + 2.0 * LAMBDA_REG * Y_cols  # [K, B]
    y_grad = jnp.zeros_like(global_Y).at[:, movie_ids].set(grad)  # scatter-overwrite
    return y_grad / B

if __name__ == "__main__":
    import jax
    _d = setup_inputs()
    print(jax.jit(kernel)(*tuple(_d.values())))

</pallas_src>

<mosaic_0001>
#map = affine_map<(d0, d1) -> (0, 0)>
#map1 = affine_map<(d0, d1) -> (0)>
module attributes {stable_mosaic.version = 14 : i64} {
  func.func @_body(%arg0: i32, %arg1: i32, %arg2: memref<64x100000xf32, #tpu.memory_space<hbm>>, %arg3: memref<50xi32, #tpu.memory_space<hbm>>, %arg4: memref<50xf32, #tpu.memory_space<hbm>>, %arg5: memref<64xf32, #tpu.memory_space<hbm>>, %arg6: memref<64x100000xf32, #tpu.memory_space<hbm>>, %arg7: memref<8x3200xf32, #tpu.memory_space<vmem>>, %arg8: memref<80xi32, #tpu.memory_space<vmem>>, %arg9: memref<80xf32, #tpu.memory_space<vmem>>, %arg10: memref<64xf32, #tpu.memory_space<vmem>>, %arg11: memref<64x128xf32, #tpu.memory_space<vmem>>, %arg12: memref<64x128xf32, #tpu.memory_space<vmem>>, %arg13: memref<16xf32, #tpu.memory_space<vmem>>, %arg14: memref<!tpu.dma_semaphore, #tpu.memory_space<semaphore_mem>>, %arg15: memref<!tpu.dma_semaphore, #tpu.memory_space<semaphore_mem>>, %arg16: memref<!tpu.dma_semaphore, #tpu.memory_space<semaphore_mem>>, %arg17: memref<!tpu.dma_semaphore, #tpu.memory_space<semaphore_mem>>) attributes {dimension_semantics = [#tpu.dimension_semantics<core_parallel>, #tpu.dimension_semantics<subcore_parallel>], iteration_bounds = array<i64: 2, 16>, scalar_prefetch = 0 : i64, scratch_operands = 11 : i64, tpu.core_type = #tpu.core_type<sc_vector_subcore>, window_params = [{transform_indices = #map}, {transform_indices = #map1}, {transform_indices = #map1}, {transform_indices = #map1}, {transform_indices = #map}]} {
    %mul3A = arith.constant 16 : i32
    %mul3A_0 = arith.muli %arg0, %mul3A : i32
    %add3A = arith.addi %mul3A_0, %arg1 : i32
    %mul3A_1 = arith.constant 3200 : i32
    %mul3A_2 = arith.muli %add3A, %mul3A_1 : i32
    %add3A_3 = arith.constant 3200 : i32
    %add3A_4 = arith.addi %mul3A_2, %add3A_3 : i32
    %min3A = arith.constant 100000 : i32
    %min3A_5 = arith.minsi %add3A_4, %min3A : i32
    %dma_start3A = arith.constant 0 : i32
    %dma_start3A_6 = tpu.memref_slice %arg8[%dma_start3A] : memref<80xi32, #tpu.memory_space<vmem>> -> memref<50xi32, #tpu.memory_space<vmem>>
    %dma_start3A_7 = arith.constant 0 : i32
    %dma_start3A_8 = tpu.memref_slice %arg8[%dma_start3A_7] : memref<80xi32, #tpu.memory_space<vmem>> -> memref<50xi32, #tpu.memory_space<vmem>>
    tpu.enqueue_dma source(%arg3 : memref<50xi32, #tpu.memory_space<hbm>>) target(%dma_start3A_8 : memref<50xi32, #tpu.memory_space<vmem>>) target_semaphore(%arg14 : memref<!tpu.dma_semaphore, #tpu.memory_space<semaphore_mem>>)
    %dma_start3A_9 = arith.constant 0 : i32
    %dma_start3A_10 = tpu.memref_slice %arg9[%dma_start3A_9] : memref<80xf32, #tpu.memory_space<vmem>> -> memref<50xf32, #tpu.memory_space<vmem>>
    %dma_start3A_11 = arith.constant 0 : i32
    %dma_start3A_12 = tpu.memref_slice %arg9[%dma_start3A_11] : memref<80xf32, #tpu.memory_space<vmem>> -> memref<50xf32, #tpu.memory_space<vmem>>
    tpu.enqueue_dma source(%arg4 : memref<50xf32, #tpu.memory_space<hbm>>) target(%dma_start3A_12 : memref<50xf32, #tpu.memory_space<vmem>>) target_semaphore(%arg14 : memref<!tpu.dma_semaphore, #tpu.memory_space<semaphore_mem>>)
    tpu.enqueue_dma source(%arg5 : memref<64xf32, #tpu.memory_space<hbm>>) target(%arg10 : memref<64xf32, #tpu.memory_space<vmem>>) target_semaphore(%arg14 : memref<!tpu.dma_semaphore, #tpu.memory_space<semaphore_mem>>)
    %broadcast_in_dim3A = arith.constant 0.000000e+00 : f32
    %broadcast_in_dim3A_13 = vector.broadcast %broadcast_in_dim3A : f32 to vector<16xf32>
    %broadcast_in_dim3A_14 = arith.constant 0 : i32
    %broadcast_in_dim3A_15 = vector.broadcast %broadcast_in_dim3A_14 : i32 to vector<16xi32>
    %iota3A = tpu.iota {dimensions = array<i32: 0>} : vector<16xi32>
    %scan3A = arith.constant 0 : i32
    %scan3A_16 = arith.constant 0 : i32
    %scan3A_17 = arith.constant 200 : i32
    %scan3A_18 = arith.addi %scan3A_16, %scan3A_17 : i32
    %scan3A_19 = arith.constant 1 : i32
    scf.for %scan3A_57 = %scan3A_16 to %scan3A_18 step %scan3A_19  : i32 {
      %mul3A_58 = arith.constant 16 : i32
      %mul3A_59 = arith.muli %scan3A_57, %mul3A_58 : i32
      %swap3A = arith.constant 0 : i32
      %swap3A_60 = arith.index_cast %swap3A : i32 to index
      %swap3A_61 = arith.index_cast %mul3A_59 : i32 to index
      %swap3A_62 = tpu.vector_load %arg7[%swap3A_60, %swap3A_61] {strides = array<i32>} : memref<8x3200xf32, #tpu.memory_space<vmem>>, vector<16xf32>,
      tpu.vector_store %arg7[%swap3A_60, %swap3A_61], %broadcast_in_dim3A_13 {strides = array<i32>} : memref<8x3200xf32, #tpu.memory_space<vmem>>, vector<16xf32>,
      %mul3A_63 = arith.constant 16 : i32
      %mul3A_64 = arith.muli %scan3A_57, %mul3A_63 : i32
      %swap3A_65 = arith.constant 1 : i32
      %swap3A_66 = arith.index_cast %swap3A_65 : i32 to index
      %swap3A_67 = arith.index_cast %mul3A_64 : i32 to index
      %swap3A_68 = tpu.vector_load %arg7[%swap3A_66, %swap3A_67] {strides = array<i32>} : memref<8x3200xf32, #tpu.memory_space<vmem>>, vector<16xf32>,
      tpu.vector_store %arg7[%swap3A_66, %swap3A_67], %broadcast_in_dim3A_13 {strides = array<i32>} : memref<8x3200xf32, #tpu.memory_space<vmem>>, vector<16xf32>,
      %mul3A_69 = arith.constant 16 : i32
      %mul3A_70 = arith.muli %scan3A_57, %mul3A_69 : i32
      %swap3A_71 = arith.constant 2 : i32
      %swap3A_72 = arith.index_cast %swap3A_71 : i32 to index
      %swap3A_73 = arith.index_cast %mul3A_70 : i32 to index
      %swap3A_74 = tpu.vector_load %arg7[%swap3A_72, %swap3A_73] {strides = array<i32>} : memref<8x3200xf32, #tpu.memory_space<vmem>>, vector<16xf32>,
      tpu.vector_store %arg7[%swap3A_72, %swap3A_73], %broadcast_in_dim3A_13 {strides = array<i32>} : memref<8x3200xf32, #tpu.memory_space<vmem>>, vector<16xf32>,
      %mul3A_75 = arith.constant 16 : i32
      %mul3A_76 = arith.muli %scan3A_57, %mul3A_75 : i32
      %swap3A_77 = arith.constant 3 : i32
      %swap3A_78 = arith.index_cast %swap3A_77 : i32 to index
      %swap3A_79 = arith.index_cast %mul3A_76 : i32 to index
      %swap3A_80 = tpu.vector_load %arg7[%swap3A_78, %swap3A_79] {strides = array<i32>} : memref<8x3200xf32, #tpu.memory_space<vmem>>, vector<16xf32>,
      tpu.vector_store %arg7[%swap3A_78, %swap3A_79], %broadcast_in_dim3A_13 {strides = array<i32>} : memref<8x3200xf32, #tpu.memory_space<vmem>>, vector<16xf32>,
      %mul3A_81 = arith.constant 16 : i32
      %mul3A_82 = arith.muli %scan3A_57, %mul3A_81 : i32
      %swap3A_83 = arith.constant 4 : i32
      %swap3A_84 = arith.index_cast %swap3A_83 : i32 to index
      %swap3A_85 = arith.index_cast %mul3A_82 : i32 to index
      %swap3A_86 = tpu.vector_load %arg7[%swap3A_84, %swap3A_85] {strides = array<i32>} : memref<8x3200xf32, #tpu.memory_space<vmem>>, vector<16xf32>,
      tpu.vector_store %arg7[%swap3A_84, %swap3A_85], %broadcast_in_dim3A_13 {strides = array<i32>} : memref<8x3200xf32, #tpu.memory_space<vmem>>, vector<16xf32>,
      %mul3A_87 = arith.constant 16 : i32
      %mul3A_88 = arith.muli %scan3A_57, %mul3A_87 : i32
      %swap3A_89 = arith.constant 5 : i32
      %swap3A_90 = arith.index_cast %swap3A_89 : i32 to index
      %swap3A_91 = arith.index_cast %mul3A_88 : i32 to index
      %swap3A_92 = tpu.vector_load %arg7[%swap3A_90, %swap3A_91] {strides = array<i32>} : memref<8x3200xf32, #tpu.memory_space<vmem>>, vector<16xf32>,
      tpu.vector_store %arg7[%swap3A_90, %swap3A_91], %broadcast_in_dim3A_13 {strides = array<i32>} : memref<8x3200xf32, #tpu.memory_space<vmem>>, vector<16xf32>,
      %mul3A_93 = arith.constant 16 : i32
      %mul3A_94 = arith.muli %scan3A_57, %mul3A_93 : i32
      %swap3A_95 = arith.constant 6 : i32
      %swap3A_96 = arith.index_cast %swap3A_95 : i32 to index
      %swap3A_97 = arith.index_cast %mul3A_94 : i32 to index
      %swap3A_98 = tpu.vector_load %arg7[%swap3A_96, %swap3A_97] {strides = array<i32>} : memref<8x3200xf32, #tpu.memory_space<vmem>>, vector<16xf32>,
      tpu.vector_store %arg7[%swap3A_96, %swap3A_97], %broadcast_in_dim3A_13 {strides = array<i32>} : memref<8x3200xf32, #tpu.memory_space<vmem>>, vector<16xf32>,
      %mul3A_99 = arith.constant 16 : i32
      %mul3A_100 = arith.muli %scan3A_57, %mul3A_99 : i32
      %swap3A_101 = arith.constant 7 : i32
      %swap3A_102 = arith.index_cast %swap3A_101 : i32 to index
      %swap3A_103 = arith.index_cast %mul3A_100 : i32 to index
      %swap3A_104 = tpu.vector_load %arg7[%swap3A_102, %swap3A_103] {strides = array<i32>} : memref<8x3200xf32, #tpu.memory_space<vmem>>, vector<16xf32>,
      tpu.vector_store %arg7[%swap3A_102, %swap3A_103], %broadcast_in_dim3A_13 {strides = array<i32>} : memref<8x3200xf32, #tpu.memory_space<vmem>>, vector<16xf32>,
    }
    %scan3A_20 = arith.constant 200 : i32
    %dma_wait3A = arith.constant 0 : i32
    %dma_wait3A_21 = tpu.memref_slice %arg8[%dma_wait3A] : memref<80xi32, #tpu.memory_space<vmem>> -> memref<50xi32, #tpu.memory_space<vmem>>
    %dma_wait3A_22 = arith.constant 0 : i32
    %dma_wait3A_23 = tpu.memref_slice %arg8[%dma_wait3A_22] : memref<80xi32, #tpu.memory_space<vmem>> -> memref<50xi32, #tpu.memory_space<vmem>>
    tpu.wait_dma2 semaphore(%arg14 : memref<!tpu.dma_semaphore, #tpu.memory_space<semaphore_mem>>) src(%arg3 : memref<50xi32, #tpu.memory_space<hbm>>) dst(%dma_wait3A_23 : memref<50xi32, #tpu.memory_space<vmem>>)
    %dma_wait3A_24 = arith.constant 0 : i32
    %dma_wait3A_25 = tpu.memref_slice %arg9[%dma_wait3A_24] : memref<80xf32, #tpu.memory_space<vmem>> -> memref<50xf32, #tpu.memory_space<vmem>>
    %dma_wait3A_26 = arith.constant 0 : i32
    %dma_wait3A_27 = tpu.memref_slice %arg9[%dma_wait3A_26] : memref<80xf32, #tpu.memory_space<vmem>> -> memref<50xf32, #tpu.memory_space<vmem>>
    tpu.wait_dma2 semaphore(%arg14 : memref<!tpu.dma_semaphore, #tpu.memory_space<semaphore_mem>>) src(%arg4 : memref<50xf32, #tpu.memory_space<hbm>>) dst(%dma_wait3A_27 : memref<50xf32, #tpu.memory_space<vmem>>)
    tpu.wait_dma2 semaphore(%arg14 : memref<!tpu.dma_semaphore, #tpu.memory_space<semaphore_mem>>) src(%arg5 : memref<64xf32, #tpu.memory_space<hbm>>) dst(%arg10 : memref<64xf32, #tpu.memory_space<vmem>>)
    %get3A = arith.constant 0 : index
    %get3A_28 = tpu.vector_load %arg10[%get3A] {strides = array<i32>} : memref<64xf32, #tpu.memory_space<vmem>>, vector<16xf32>,
    %get3A_29 = arith.constant 16 : index
    %get3A_30 = tpu.vector_load %arg10[%get3A_29] {strides = array<i32>} : memref<64xf32, #tpu.memory_space<vmem>>, vector<16xf32>,
    %get3A_31 = arith.constant 32 : index
    %get3A_32 = tpu.vector_load %arg10[%get3A_31] {strides = array<i32>} : memref<64xf32, #tpu.memory_space<vmem>>, vector<16xf32>,
    %get3A_33 = arith.constant 48 : index
    %get3A_34 = tpu.vector_load %arg10[%get3A_33] {strides = array<i32>} : memref<64xf32, #tpu.memory_space<vmem>>, vector<16xf32>,
    %lt3A = arith.constant 31 : i32
    %lt3A_35 = arith.cmpi slt, %add3A, %lt3A : i32
    %convert_element_type3A = arith.extui %lt3A_35 : i1 to i32
    %cond3A = arith.constant 0 : i32
    %cond3A_36 = arith.cmpi ne, %convert_element_type3A, %cond3A : i32
    scf.if %cond3A_36 {
      %mul3A_57 = arith.constant 3200 : i32
      %mul3A_58 = arith.muli %add3A, %mul3A_57 : i32
      %multiple_of3A = tpu.assume_multiple %mul3A_58, 128 : i32
      %dma_start3A_59 = arith.constant 0 : i32
      %dma_start3A_60 = arith.constant 0 : i32
      %dma_start3A_61 = tpu.memref_slice %arg7[%dma_start3A_59, %dma_start3A_60] : memref<8x3200xf32, #tpu.memory_space<vmem>> -> memref<8x3200xf32, #tpu.memory_space<vmem>>
      %dma_start3A_62 = arith.constant 0 : i32
      %dma_start3A_63 = tpu.memref_slice %arg6[%dma_start3A_62, %multiple_of3A] : memref<64x100000xf32, #tpu.memory_space<hbm>> -> memref<8x3200xf32, #tpu.memory_space<hbm>>
      %dma_start3A_64 = arith.constant 0 : i32
      %dma_start3A_65 = tpu.memref_slice %arg6[%dma_start3A_64, %multiple_of3A] : memref<64x100000xf32, #tpu.memory_space<hbm>> -> memref<8x3200xf32, #tpu.memory_space<hbm>>
      %dma_start3A_66 = arith.constant 0 : i32
      %dma_start3A_67 = arith.constant 0 : i32
      %dma_start3A_68 = tpu.memref_slice %arg7[%dma_start3A_66, %dma_start3A_67] : memref<8x3200xf32, #tpu.memory_space<vmem>> -> memref<8x3200xf32, #tpu.memory_space<vmem>>
      tpu.enqueue_dma source(%dma_start3A_68 : memref<8x3200xf32, #tpu.memory_space<vmem>>) target(%dma_start3A_65 : memref<8x3200xf32, #tpu.memory_space<hbm>>) target_semaphore(%arg15 : memref<!tpu.dma_semaphore, #tpu.memory_space<semaphore_mem>>)
      %dma_start3A_69 = arith.constant 0 : i32
      %dma_start3A_70 = arith.constant 0 : i32
      %dma_start3A_71 = tpu.memref_slice %arg7[%dma_start3A_69, %dma_start3A_70] : memref<8x3200xf32, #tpu.memory_space<vmem>> -> memref<8x3200xf32, #tpu.memory_space<vmem>>
      %dma_start3A_72 = arith.constant 8 : i32
      %dma_start3A_73 = tpu.memref_slice %arg6[%dma_start3A_72, %multiple_of3A] : memref<64x100000xf32, #tpu.memory_space<hbm>> -> memref<8x3200xf32, #tpu.memory_space<hbm>>
      %dma_start3A_74 = arith.constant 8 : i32
      %dma_start3A_75 = tpu.memref_slice %arg6[%dma_start3A_74, %multiple_of3A] : memref<64x100000xf32, #tpu.memory_space<hbm>> -> memref<8x3200xf32, #tpu.memory_space<hbm>>
      %dma_start3A_76 = arith.constant 0 : i32
      %dma_start3A_77 = arith.constant 0 : i32
      %dma_start3A_78 = tpu.memref_slice %arg7[%dma_start3A_76, %dma_start3A_77] : memref<8x3200xf32, #tpu.memory_space<vmem>> -> memref<8x3200xf32, #tpu.memory_space<vmem>>
      tpu.enqueue_dma source(%dma_start3A_78 : memref<8x3200xf32, #tpu.memory_space<vmem>>) target(%dma_start3A_75 : memref<8x3200xf32, #tpu.memory_space<hbm>>) target_semaphore(%arg15 : memref<!tpu.dma_semaphore, #tpu.memory_space<semaphore_mem>>)
      %dma_start3A_79 = arith.constant 0 : i32
      %dma_start3A_80 = arith.constant 0 : i32
      %dma_start3A_81 = tpu.memref_slice %arg7[%dma_start3A_79, %dma_start3A_80] : memref<8x3200xf32, #tpu.memory_space<vmem>> -> memref<8x3200xf32, #tpu.memory_space<vmem>>
      %dma_start3A_82 = arith.constant 16 : i32
      %dma_start3A_83 = tpu.memref_slice %arg6[%dma_start3A_82, %multiple_of3A] : memref<64x100000xf32, #tpu.memory_space<hbm>> -> memref<8x3200xf32, #tpu.memory_space<hbm>>
      %dma_start3A_84 = arith.constant 16 : i32
      %dma_start3A_85 = tpu.memref_slice %arg6[%dma_start3A_84, %multiple_of3A] : memref<64x100000xf32, #tpu.memory_space<hbm>> -> memref<8x3200xf32, #tpu.memory_space<hbm>>
      %dma_start3A_86 = arith.constant 0 : i32
      %dma_start3A_87 = arith.constant 0 : i32
      %dma_start3A_88 = tpu.memref_slice %arg7[%dma_start3A_86, %dma_start3A_87] : memref<8x3200xf32, #tpu.memory_space<vmem>> -> memref<8x3200xf32, #tpu.memory_space<vmem>>
      tpu.enqueue_dma source(%dma_start3A_88 : memref<8x3200xf32, #tpu.memory_space<vmem>>) target(%dma_start3A_85 : memref<8x3200xf32, #tpu.memory_space<hbm>>) target_semaphore(%arg15 : memref<!tpu.dma_semaphore, #tpu.memory_space<semaphore_mem>>)
      %dma_start3A_89 = arith.constant 0 : i32
      %dma_start3A_90 = arith.constant 0 : i32
      %dma_start3A_91 = tpu.memref_slice %arg7[%dma_start3A_89, %dma_start3A_90] : memref<8x3200xf32, #tpu.memory_space<vmem>> -> memref<8x3200xf32, #tpu.memory_space<vmem>>
      %dma_start3A_92 = arith.constant 24 : i32
      %dma_start3A_93 = tpu.memref_slice %arg6[%dma_start3A_92, %multiple_of3A] : memref<64x100000xf32, #tpu.memory_space<hbm>> -> memref<8x3200xf32, #tpu.memory_space<hbm>>
      %dma_start3A_94 = arith.constant 24 : i32
      %dma_start3A_95 = tpu.memref_slice %arg6[%dma_start3A_94, %multiple_of3A] : memref<64x100000xf32, #tpu.memory_space<hbm>> -> memref<8x3200xf32, #tpu.memory_space<hbm>>
      %dma_start3A_96 = arith.constant 0 : i32
      %dma_start3A_97 = arith.constant 0 : i32
      %dma_start3A_98 = tpu.memref_slice %arg7[%dma_start3A_96, %dma_start3A_97] : memref<8x3200xf32, #tpu.memory_space<vmem>> -> memref<8x3200xf32, #tpu.memory_space<vmem>>
      tpu.enqueue_dma source(%dma_start3A_98 : memref<8x3200xf32, #tpu.memory_space<vmem>>) target(%dma_start3A_95 : memref<8x3200xf32, #tpu.memory_space<hbm>>) target_semaphore(%arg15 : memref<!tpu.dma_semaphore, #tpu.memory_space<semaphore_mem>>)
      %dma_start3A_99 = arith.constant 0 : i32
      %dma_start3A_100 = arith.constant 0 : i32
      %dma_start3A_101 = tpu.memref_slice %arg7[%dma_start3A_99, %dma_start3A_100] : memref<8x3200xf32, #tpu.memory_space<vmem>> -> memref<8x3200xf32, #tpu.memory_space<vmem>>
      %dma_start3A_102 = arith.constant 32 : i32
      %dma_start3A_103 = tpu.memref_slice %arg6[%dma_start3A_102, %multiple_of3A] : memref<64x100000xf32, #tpu.memory_space<hbm>> -> memref<8x3200xf32, #tpu.memory_space<hbm>>
      %dma_start3A_104 = arith.constant 32 : i32
      %dma_start3A_105 = tpu.memref_slice %arg6[%dma_start3A_104, %multiple_of3A] : memref<64x100000xf32, #tpu.memory_space<hbm>> -> memref<8x3200xf32, #tpu.memory_space<hbm>>
      %dma_start3A_106 = arith.constant 0 : i32
      %dma_start3A_107 = arith.constant 0 : i32
      %dma_start3A_108 = tpu.memref_slice %arg7[%dma_start3A_106, %dma_start3A_107] : memref<8x3200xf32, #tpu.memory_space<vmem>> -> memref<8x3200xf32, #tpu.memory_space<vmem>>
      tpu.enqueue_dma source(%dma_start3A_108 : memref<8x3200xf32, #tpu.memory_space<vmem>>) target(%dma_start3A_105 : memref<8x3200xf32, #tpu.memory_space<hbm>>) target_semaphore(%arg15 : memref<!tpu.dma_semaphore, #tpu.memory_space<semaphore_mem>>)
      %dma_start3A_109 = arith.constant 0 : i32
      %dma_start3A_110 = arith.constant 0 : i32
      %dma_start3A_111 = tpu.memref_slice %arg7[%dma_start3A_109, %dma_start3A_110] : memref<8x3200xf32, #tpu.memory_space<vmem>> -> memref<8x3200xf32, #tpu.memory_space<vmem>>
      %dma_start3A_112 = arith.constant 40 : i32
      %dma_start3A_113 = tpu.memref_slice %arg6[%dma_start3A_112, %multiple_of3A] : memref<64x100000xf32, #tpu.memory_space<hbm>> -> memref<8x3200xf32, #tpu.memory_space<hbm>>
      %dma_start3A_114 = arith.constant 40 : i32
      %dma_start3A_115 = tpu.memref_slice %arg6[%dma_start3A_114, %multiple_of3A] : memref<64x100000xf32, #tpu.memory_space<hbm>> -> memref<8x3200xf32, #tpu.memory_space<hbm>>
      %dma_start3A_116 = arith.constant 0 : i32
      %dma_start3A_117 = arith.constant 0 : i32
      %dma_start3A_118 = tpu.memref_slice %arg7[%dma_start3A_116, %dma_start3A_117] : memref<8x3200xf32, #tpu.memory_space<vmem>> -> memref<8x3200xf32, #tpu.memory_space<vmem>>
      tpu.enqueue_dma source(%dma_start3A_118 : memref<8x3200xf32, #tpu.memory_space<vmem>>) target(%dma_start3A_115 : memref<8x3200xf32, #tpu.memory_space<hbm>>) target_semaphore(%arg15 : memref<!tpu.dma_semaphore, #tpu.memory_space<semaphore_mem>>)
      %dma_start3A_119 = arith.constant 0 : i32
      %dma_start3A_120 = arith.constant 0 : i32
      %dma_start3A_121 = tpu.memref_slice %arg7[%dma_start3A_119, %dma_start3A_120] : memref<8x3200xf32, #tpu.memory_space<vmem>> -> memref<8x3200xf32, #tpu.memory_space<vmem>>
      %dma_start3A_122 = arith.constant 48 : i32
      %dma_start3A_123 = tpu.memref_slice %arg6[%dma_start3A_122, %multiple_of3A] : memref<64x100000xf32, #tpu.memory_space<hbm>> -> memref<8x3200xf32, #tpu.memory_space<hbm>>
      %dma_start3A_124 = arith.constant 48 : i32
      %dma_start3A_125 = tpu.memref_slice %arg6[%dma_start3A_124, %multiple_of3A] : memref<64x100000xf32, #tpu.memory_space<hbm>> -> memref<8x3200xf32, #tpu.memory_space<hbm>>
      %dma_start3A_126 = arith.constant 0 : i32
      %dma_start3A_127 = arith.constant 0 : i32
      %dma_start3A_128 = tpu.memref_slice %arg7[%dma_start3A_126, %dma_start3A_127] : memref<8x3200xf32, #tpu.memory_space<vmem>> -> memref<8x3200xf32, #tpu.memory_space<vmem>>
      tpu.enqueue_dma source(%dma_start3A_128 : memref<8x3200xf32, #tpu.memory_space<vmem>>) target(%dma_start3A_125 : memref<8x3200xf32, #tpu.memory_space<hbm>>) target_semaphore(%arg15 : memref<!tpu.dma_semaphore, #tpu.memory_space<semaphore_mem>>)
      %dma_start3A_129 = arith.constant 0 : i32
      %dma_start3A_130 = arith.constant 0 : i32
      %dma_start3A_131 = tpu.memref_slice %arg7[%dma_start3A_129, %dma_start3A_130] : memref<8x3200xf32, #tpu.memory_space<vmem>> -> memref<8x3200xf32, #tpu.memory_space<vmem>>
      %dma_start3A_132 = arith.constant 56 : i32
      %dma_start3A_133 = tpu.memref_slice %arg6[%dma_start3A_132, %multiple_of3A] : memref<64x100000xf32, #tpu.memory_space<hbm>> -> memref<8x3200xf32, #tpu.memory_space<hbm>>
      %dma_start3A_134 = arith.constant 56 : i32
      %dma_start3A_135 = tpu.memref_slice %arg6[%dma_start3A_134, %multiple_of3A] : memref<64x100000xf32, #tpu.memory_space<hbm>> -> memref<8x3200xf32, #tpu.memory_space<hbm>>
      %dma_start3A_136 = arith.constant 0 : i32
      %dma_start3A_137 = arith.constant 0 : i32
      %dma_start3A_138 = tpu.memref_slice %arg7[%dma_start3A_136, %dma_start3A_137] : memref<8x3200xf32, #tpu.memory_space<vmem>> -> memref<8x3200xf32, #tpu.memory_space<vmem>>
      tpu.enqueue_dma source(%dma_start3A_138 : memref<8x3200xf32, #tpu.memory_space<vmem>>) target(%dma_start3A_135 : memref<8x3200xf32, #tpu.memory_space<hbm>>) target_semaphore(%arg15 : memref<!tpu.dma_semaphore, #tpu.memory_space<semaphore_mem>>)
    } else {
    }
    %eq3A = arith.constant 31 : i32
    %eq3A_37 = arith.cmpi eq, %add3A, %eq3A : i32
    %convert_element_type3A_38 = arith.extui %eq3A_37 : i1 to i32
    %cond3A_39 = arith.constant 0 : i32
    %cond3A_40 = arith.cmpi ne, %convert_element_type3A_38, %cond3A_39 : i32
    scf.if %cond3A_40 {
      %mul3A_57 = arith.constant 3200 : i32
      %mul3A_58 = arith.muli %add3A, %mul3A_57 : i32
      %multiple_of3A = tpu.assume_multiple %mul3A_58, 128 : i32
      %dma_start3A_59 = arith.constant 0 : i32
      %dma_start3A_60 = arith.constant 0 : i32
      %dma_start3A_61 = tpu.memref_slice %arg7[%dma_start3A_59, %dma_start3A_60] : memref<8x3200xf32, #tpu.memory_space<vmem>> -> memref<8x896xf32, #tpu.memory_space<vmem>>
      %dma_start3A_62 = arith.constant 0 : i32
      %dma_start3A_63 = tpu.memref_slice %arg6[%dma_start3A_62, %multiple_of3A] : memref<64x100000xf32, #tpu.memory_space<hbm>> -> memref<8x896xf32, #tpu.memory_space<hbm>>
      %dma_start3A_64 = arith.constant 0 : i32
      %dma_start3A_65 = tpu.memref_slice %arg6[%dma_start3A_64, %multiple_of3A] : memref<64x100000xf32, #tpu.memory_space<hbm>> -> memref<8x896xf32, #tpu.memory_space<hbm>>
      %dma_start3A_66 = arith.constant 0 : i32
      %dma_start3A_67 = arith.constant 0 : i32
      %dma_start3A_68 = tpu.memref_slice %arg7[%dma_start3A_66, %dma_start3A_67] : memref<8x3200xf32, #tpu.memory_space<vmem>> -> memref<8x896xf32, #tpu.memory_space<vmem>>
      tpu.enqueue_dma source(%dma_start3A_68 : memref<8x896xf32, #tpu.memory_space<vmem>>) target(%dma_start3A_65 : memref<8x896xf32, #tpu.memory_space<hbm>>) target_semaphore(%arg15 : memref<!tpu.dma_semaphore, #tpu.memory_space<semaphore_mem>>)
      %dma_start3A_69 = arith.constant 0 : i32
      %dma_start3A_70 = arith.constant 0 : i32
      %dma_start3A_71 = tpu.memref_slice %arg7[%dma_start3A_69, %dma_start3A_70] : memref<8x3200xf32, #tpu.memory_space<vmem>> -> memref<8x896xf32, #tpu.memory_space<vmem>>
      %dma_start3A_72 = arith.constant 8 : i32
      %dma_start3A_73 = tpu.memref_slice %arg6[%dma_start3A_72, %multiple_of3A] : memref<64x100000xf32, #tpu.memory_space<hbm>> -> memref<8x896xf32, #tpu.memory_space<hbm>>
      %dma_start3A_74 = arith.constant 8 : i32
      %dma_start3A_75 = tpu.memref_slice %arg6[%dma_start3A_74, %multiple_of3A] : memref<64x100000xf32, #tpu.memory_space<hbm>> -> memref<8x896xf32, #tpu.memory_space<hbm>>
      %dma_start3A_76 = arith.constant 0 : i32
      %dma_start3A_77 = arith.constant 0 : i32
      %dma_start3A_78 = tpu.memref_slice %arg7[%dma_start3A_76, %dma_start3A_77] : memref<8x3200xf32, #tpu.memory_space<vmem>> -> memref<8x896xf32, #tpu.memory_space<vmem>>
      tpu.enqueue_dma source(%dma_start3A_78 : memref<8x896xf32, #tpu.memory_space<vmem>>) target(%dma_start3A_75 : memref<8x896xf32, #tpu.memory_space<hbm>>) target_semaphore(%arg15 : memref<!tpu.dma_semaphore, #tpu.memory_space<semaphore_mem>>)
      %dma_start3A_79 = arith.constant 0 : i32
      %dma_start3A_80 = arith.constant 0 : i32
      %dma_start3A_81 = tpu.memref_slice %arg7[%dma_start3A_79, %dma_start3A_80] : memref<8x3200xf32, #tpu.memory_space<vmem>> -> memref<8x896xf32, #tpu.memory_space<vmem>>
      %dma_start3A_82 = arith.constant 16 : i32
      %dma_start3A_83 = tpu.memref_slice %arg6[%dma_start3A_82, %multiple_of3A] : memref<64x100000xf32, #tpu.memory_space<hbm>> -> memref<8x896xf32, #tpu.memory_space<hbm>>
      %dma_start3A_84 = arith.constant 16 : i32
      %dma_start3A_85 = tpu.memref_slice %arg6[%dma_start3A_84, %multiple_of3A] : memref<64x100000xf32, #tpu.memory_space<hbm>> -> memref<8x896xf32, #tpu.memory_space<hbm>>
      %dma_start3A_86 = arith.constant 0 : i32
      %dma_start3A_87 = arith.constant 0 : i32
      %dma_start3A_88 = tpu.memref_slice %arg7[%dma_start3A_86, %dma_start3A_87] : memref<8x3200xf32, #tpu.memory_space<vmem>> -> memref<8x896xf32, #tpu.memory_space<vmem>>
      tpu.enqueue_dma source(%dma_start3A_88 : memref<8x896xf32, #tpu.memory_space<vmem>>) target(%dma_start3A_85 : memref<8x896xf32, #tpu.memory_space<hbm>>) target_semaphore(%arg15 : memref<!tpu.dma_semaphore, #tpu.memory_space<semaphore_mem>>)
      %dma_start3A_89 = arith.constant 0 : i32
      %dma_start3A_90 = arith.constant 0 : i32
      %dma_start3A_91 = tpu.memref_slice %arg7[%dma_start3A_89, %dma_start3A_90] : memref<8x3200xf32, #tpu.memory_space<vmem>> -> memref<8x896xf32, #tpu.memory_space<vmem>>
      %dma_start3A_92 = arith.constant 24 : i32
      %dma_start3A_93 = tpu.memref_slice %arg6[%dma_start3A_92, %multiple_of3A] : memref<64x100000xf32, #tpu.memory_space<hbm>> -> memref<8x896xf32, #tpu.memory_space<hbm>>
      %dma_start3A_94 = arith.constant 24 : i32
      %dma_start3A_95 = tpu.memref_slice %arg6[%dma_start3A_94, %multiple_of3A] : memref<64x100000xf32, #tpu.memory_space<hbm>> -> memref<8x896xf32, #tpu.memory_space<hbm>>
      %dma_start3A_96 = arith.constant 0 : i32
      %dma_start3A_97 = arith.constant 0 : i32
      %dma_start3A_98 = tpu.memref_slice %arg7[%dma_start3A_96, %dma_start3A_97] : memref<8x3200xf32, #tpu.memory_space<vmem>> -> memref<8x896xf32, #tpu.memory_space<vmem>>
      tpu.enqueue_dma source(%dma_start3A_98 : memref<8x896xf32, #tpu.memory_space<vmem>>) target(%dma_start3A_95 : memref<8x896xf32, #tpu.memory_space<hbm>>) target_semaphore(%arg15 : memref<!tpu.dma_semaphore, #tpu.memory_space<semaphore_mem>>)
      %dma_start3A_99 = arith.constant 0 : i32
      %dma_start3A_100 = arith.constant 0 : i32
      %dma_start3A_101 = tpu.memref_slice %arg7[%dma_start3A_99, %dma_start3A_100] : memref<8x3200xf32, #tpu.memory_space<vmem>> -> memref<8x896xf32, #tpu.memory_space<vmem>>
      %dma_start3A_102 = arith.constant 32 : i32
      %dma_start3A_103 = tpu.memref_slice %arg6[%dma_start3A_102, %multiple_of3A] : memref<64x100000xf32, #tpu.memory_space<hbm>> -> memref<8x896xf32, #tpu.memory_space<hbm>>
      %dma_start3A_104 = arith.constant 32 : i32
      %dma_start3A_105 = tpu.memref_slice %arg6[%dma_start3A_104, %multiple_of3A] : memref<64x100000xf32, #tpu.memory_space<hbm>> -> memref<8x896xf32, #tpu.memory_space<hbm>>
      %dma_start3A_106 = arith.constant 0 : i32
      %dma_start3A_107 = arith.constant 0 : i32
      %dma_start3A_108 = tpu.memref_slice %arg7[%dma_start3A_106, %dma_start3A_107] : memref<8x3200xf32, #tpu.memory_space<vmem>> -> memref<8x896xf32, #tpu.memory_space<vmem>>
      tpu.enqueue_dma source(%dma_start3A_108 : memref<8x896xf32, #tpu.memory_space<vmem>>) target(%dma_start3A_105 : memref<8x896xf32, #tpu.memory_space<hbm>>) target_semaphore(%arg15 : memref<!tpu.dma_semaphore, #tpu.memory_space<semaphore_mem>>)
      %dma_start3A_109 = arith.constant 0 : i32
      %dma_start3A_110 = arith.constant 0 : i32
      %dma_start3A_111 = tpu.memref_slice %arg7[%dma_start3A_109, %dma_start3A_110] : memref<8x3200xf32, #tpu.memory_space<vmem>> -> memref<8x896xf32, #tpu.memory_space<vmem>>
      %dma_start3A_112 = arith.constant 40 : i32
      %dma_start3A_113 = tpu.memref_slice %arg6[%dma_start3A_112, %multiple_of3A] : memref<64x100000xf32, #tpu.memory_space<hbm>> -> memref<8x896xf32, #tpu.memory_space<hbm>>
      %dma_start3A_114 = arith.constant 40 : i32
      %dma_start3A_115 = tpu.memref_slice %arg6[%dma_start3A_114, %multiple_of3A] : memref<64x100000xf32, #tpu.memory_space<hbm>> -> memref<8x896xf32, #tpu.memory_space<hbm>>
      %dma_start3A_116 = arith.constant 0 : i32
      %dma_start3A_117 = arith.constant 0 : i32
      %dma_start3A_118 = tpu.memref_slice %arg7[%dma_start3A_116, %dma_start3A_117] : memref<8x3200xf32, #tpu.memory_space<vmem>> -> memref<8x896xf32, #tpu.memory_space<vmem>>
      tpu.enqueue_dma source(%dma_start3A_118 : memref<8x896xf32, #tpu.memory_space<vmem>>) target(%dma_start3A_115 : memref<8x896xf32, #tpu.memory_space<hbm>>) target_semaphore(%arg15 : memref<!tpu.dma_semaphore, #tpu.memory_space<semaphore_mem>>)
      %dma_start3A_119 = arith.constant 0 : i32
      %dma_start3A_120 = arith.constant 0 : i32
      %dma_start3A_121 = tpu.memref_slice %arg7[%dma_start3A_119, %dma_start3A_120] : memref<8x3200xf32, #tpu.memory_space<vmem>> -> memref<8x896xf32, #tpu.memory_space<vmem>>
      %dma_start3A_122 = arith.constant 48 : i32
      %dma_start3A_123 = tpu.memref_slice %arg6[%dma_start3A_122, %multiple_of3A] : memref<64x100000xf32, #tpu.memory_space<hbm>> -> memref<8x896xf32, #tpu.memory_space<hbm>>
      %dma_start3A_124 = arith.constant 48 : i32
      %dma_start3A_125 = tpu.memref_slice %arg6[%dma_start3A_124, %multiple_of3A] : memref<64x100000xf32, #tpu.memory_space<hbm>> -> memref<8x896xf32, #tpu.memory_space<hbm>>
      %dma_start3A_126 = arith.constant 0 : i32
      %dma_start3A_127 = arith.constant 0 : i32
      %dma_start3A_128 = tpu.memref_slice %arg7[%dma_start3A_126, %dma_start3A_127] : memref<8x3200xf32, #tpu.memory_space<vmem>> -> memref<8x896xf32, #tpu.memory_space<vmem>>
      tpu.enqueue_dma source(%dma_start3A_128 : memref<8x896xf32, #tpu.memory_space<vmem>>) target(%dma_start3A_125 : memref<8x896xf32, #tpu.memory_space<hbm>>) target_semaphore(%arg15 : memref<!tpu.dma_semaphore, #tpu.memory_space<semaphore_mem>>)
      %dma_start3A_129 = arith.constant 0 : i32
      %dma_start3A_130 = arith.constant 0 : i32
      %dma_start3A_131 = tpu.memref_slice %arg7[%dma_start3A_129, %dma_start3A_130] : memref<8x3200xf32, #tpu.memory_space<vmem>> -> memref<8x896xf32, #tpu.memory_space<vmem>>
      %dma_start3A_132 = arith.constant 56 : i32
      %dma_start3A_133 = tpu.memref_slice %arg6[%dma_start3A_132, %multiple_of3A] : memref<64x100000xf32, #tpu.memory_space<hbm>> -> memref<8x896xf32, #tpu.memory_space<hbm>>
      %dma_start3A_134 = arith.constant 56 : i32
      %dma_start3A_135 = tpu.memref_slice %arg6[%dma_start3A_134, %multiple_of3A] : memref<64x100000xf32, #tpu.memory_space<hbm>> -> memref<8x896xf32, #tpu.memory_space<hbm>>
      %dma_start3A_136 = arith.constant 0 : i32
      %dma_start3A_137 = arith.constant 0 : i32
      %dma_start3A_138 = tpu.memref_slice %arg7[%dma_start3A_136, %dma_start3A_137] : memref<8x3200xf32, #tpu.memory_space<vmem>> -> memref<8x896xf32, #tpu.memory_space<vmem>>
      tpu.enqueue_dma source(%dma_start3A_138 : memref<8x896xf32, #tpu.memory_space<vmem>>) target(%dma_start3A_135 : memref<8x896xf32, #tpu.memory_space<hbm>>) target_semaphore(%arg15 : memref<!tpu.dma_semaphore, #tpu.memory_space<semaphore_mem>>)
    } else {
    }
    %lt3A_41 = arith.constant 31 : i32
    %lt3A_42 = arith.cmpi slt, %add3A, %lt3A_41 : i32
    %convert_element_type3A_43 = arith.extui %lt3A_42 : i1 to i32
    %cond3A_44 = arith.constant 0 : i32
    %cond3A_45 = arith.cmpi ne, %convert_element_type3A_43, %cond3A_44 : i32
    scf.if %cond3A_45 {
      %mul3A_57 = arith.constant 3200 : i32
      %mul3A_58 = arith.muli %add3A, %mul3A_57 : i32
      %multiple_of3A = tpu.assume_multiple %mul3A_58, 128 : i32
      %dma_wait3A_59 = arith.constant 0 : i32
      %dma_wait3A_60 = arith.constant 0 : i32
      %dma_wait3A_61 = tpu.memref_slice %arg7[%dma_wait3A_59, %dma_wait3A_60] : memref<8x3200xf32, #tpu.memory_space<vmem>> -> memref<8x3200xf32, #tpu.memory_space<vmem>>
      %dma_wait3A_62 = arith.constant 0 : i32
      %dma_wait3A_63 = tpu.memref_slice %arg6[%dma_wait3A_62, %multiple_of3A] : memref<64x100000xf32, #tpu.memory_space<hbm>> -> memref<8x3200xf32, #tpu.memory_space<hbm>>
      %dma_wait3A_64 = arith.constant 0 : i32
      %dma_wait3A_65 = tpu.memref_slice %arg6[%dma_wait3A_64, %multiple_of3A] : memref<64x100000xf32, #tpu.memory_space<hbm>> -> memref<8x3200xf32, #tpu.memory_space<hbm>>
      %dma_wait3A_66 = arith.constant 0 : i32
      %dma_wait3A_67 = arith.constant 0 : i32
      %dma_wait3A_68 = tpu.memref_slice %arg7[%dma_wait3A_66, %dma_wait3A_67] : memref<8x3200xf32, #tpu.memory_space<vmem>> -> memref<8x3200xf32, #tpu.memory_space<vmem>>
      tpu.wait_dma2 semaphore(%arg15 : memref<!tpu.dma_semaphore, #tpu.memory_space<semaphore_mem>>) src(%dma_wait3A_68 : memref<8x3200xf32, #tpu.memory_space<vmem>>) dst(%dma_wait3A_65 : memref<8x3200xf32, #tpu.memory_space<hbm>>)
      %dma_wait3A_69 = arith.constant 0 : i32
      %dma_wait3A_70 = arith.constant 0 : i32
      %dma_wait3A_71 = tpu.memref_slice %arg7[%dma_wait3A_69, %dma_wait3A_70] : memref<8x3200xf32, #tpu.memory_space<vmem>> -> memref<8x3200xf32, #tpu.memory_space<vmem>>
      %dma_wait3A_72 = arith.constant 8 : i32
      %dma_wait3A_73 = tpu.memref_slice %arg6[%dma_wait3A_72, %multiple_of3A] : memref<64x100000xf32, #tpu.memory_space<hbm>> -> memref<8x3200xf32, #tpu.memory_space<hbm>>
      %dma_wait3A_74 = arith.constant 8 : i32
      %dma_wait3A_75 = tpu.memref_slice %arg6[%dma_wait3A_74, %multiple_of3A] : memref<64x100000xf32, #tpu.memory_space<hbm>> -> memref<8x3200xf32, #tpu.memory_space<hbm>>
      %dma_wait3A_76 = arith.constant 0 : i32
      %dma_wait3A_77 = arith.constant 0 : i32
      %dma_wait3A_78 = tpu.memref_slice %arg7[%dma_wait3A_76, %dma_wait3A_77] : memref<8x3200xf32, #tpu.memory_space<vmem>> -> memref<8x3200xf32, #tpu.memory_space<vmem>>
      tpu.wait_dma2 semaphore(%arg15 : memref<!tpu.dma_semaphore, #tpu.memory_space<semaphore_mem>>) src(%dma_wait3A_78 : memref<8x3200xf32, #tpu.memory_space<vmem>>) dst(%dma_wait3A_75 : memref<8x3200xf32, #tpu.memory_space<hbm>>)
      %dma_wait3A_79 = arith.constant 0 : i32
      %dma_wait3A_80 = arith.constant 0 : i32
      %dma_wait3A_81 = tpu.memref_slice %arg7[%dma_wait3A_79, %dma_wait3A_80] : memref<8x3200xf32, #tpu.memory_space<vmem>> -> memref<8x3200xf32, #tpu.memory_space<vmem>>
      %dma_wait3A_82 = arith.constant 16 : i32
      %dma_wait3A_83 = tpu.memref_slice %arg6[%dma_wait3A_82, %multiple_of3A] : memref<64x100000xf32, #tpu.memory_space<hbm>> -> memref<8x3200xf32, #tpu.memory_space<hbm>>
      %dma_wait3A_84 = arith.constant 16 : i32
      %dma_wait3A_85 = tpu.memref_slice %arg6[%dma_wait3A_84, %multiple_of3A] : memref<64x100000xf32, #tpu.memory_space<hbm>> -> memref<8x3200xf32, #tpu.memory_space<hbm>>
      %dma_wait3A_86 = arith.constant 0 : i32
      %dma_wait3A_87 = arith.constant 0 : i32
      %dma_wait3A_88 = tpu.memref_slice %arg7[%dma_wait3A_86, %dma_wait3A_87] : memref<8x3200xf32, #tpu.memory_space<vmem>> -> memref<8x3200xf32, #tpu.memory_space<vmem>>
      tpu.wait_dma2 semaphore(%arg15 : memref<!tpu.dma_semaphore, #tpu.memory_space<semaphore_mem>>) src(%dma_wait3A_88 : memref<8x3200xf32, #tpu.memory_space<vmem>>) dst(%dma_wait3A_85 : memref<8x3200xf32, #tpu.memory_space<hbm>>)
      %dma_wait3A_89 = arith.constant 0 : i32
      %dma_wait3A_90 = arith.constant 0 : i32
      %dma_wait3A_91 = tpu.memref_slice %arg7[%dma_wait3A_89, %dma_wait3A_90] : memref<8x3200xf32, #tpu.memory_space<vmem>> -> memref<8x3200xf32, #tpu.memory_space<vmem>>
      %dma_wait3A_92 = arith.constant 24 : i32
      %dma_wait3A_93 = tpu.memref_slice %arg6[%dma_wait3A_92, %multiple_of3A] : memref<64x100000xf32, #tpu.memory_space<hbm>> -> memref<8x3200xf32, #tpu.memory_space<hbm>>
      %dma_wait3A_94 = arith.constant 24 : i32
      %dma_wait3A_95 = tpu.memref_slice %arg6[%dma_wait3A_94, %multiple_of3A] : memref<64x100000xf32, #tpu.memory_space<hbm>> -> memref<8x3200xf32, #tpu.memory_space<hbm>>
      %dma_wait3A_96 = arith.constant 0 : i32
      %dma_wait3A_97 = arith.constant 0 : i32
      %dma_wait3A_98 = tpu.memref_slice %arg7[%dma_wait3A_96, %dma_wait3A_97] : memref<8x3200xf32, #tpu.memory_space<vmem>> -> memref<8x3200xf32, #tpu.memory_space<vmem>>
      tpu.wait_dma2 semaphore(%arg15 : memref<!tpu.dma_semaphore, #tpu.memory_space<semaphore_mem>>) src(%dma_wait3A_98 : memref<8x3200xf32, #tpu.memory_space<vmem>>) dst(%dma_wait3A_95 : memref<8x3200xf32, #tpu.memory_space<hbm>>)
      %dma_wait3A_99 = arith.constant 0 : i32
      %dma_wait3A_100 = arith.constant 0 : i32
      %dma_wait3A_101 = tpu.memref_slice %arg7[%dma_wait3A_99, %dma_wait3A_100] : memref<8x3200xf32, #tpu.memory_space<vmem>> -> memref<8x3200xf32, #tpu.memory_space<vmem>>
      %dma_wait3A_102 = arith.constant 32 : i32
      %dma_wait3A_103 = tpu.memref_slice %arg6[%dma_wait3A_102, %multiple_of3A] : memref<64x100000xf32, #tpu.memory_space<hbm>> -> memref<8x3200xf32, #tpu.memory_space<hbm>>
      %dma_wait3A_104 = arith.constant 32 : i32
      %dma_wait3A_105 = tpu.memref_slice %arg6[%dma_wait3A_104, %multiple_of3A] : memref<64x100000xf32, #tpu.memory_space<hbm>> -> memref<8x3200xf32, #tpu.memory_space<hbm>>
      %dma_wait3A_106 = arith.constant 0 : i32
      %dma_wait3A_107 = arith.constant 0 : i32
      %dma_wait3A_108 = tpu.memref_slice %arg7[%dma_wait3A_106, %dma_wait3A_107] : memref<8x3200xf32, #tpu.memory_space<vmem>> -> memref<8x3200xf32, #tpu.memory_space<vmem>>
      tpu.wait_dma2 semaphore(%arg15 : memref<!tpu.dma_semaphore, #tpu.memory_space<semaphore_mem>>) src(%dma_wait3A_108 : memref<8x3200xf32, #tpu.memory_space<vmem>>) dst(%dma_wait3A_105 : memref<8x3200xf32, #tpu.memory_space<hbm>>)
      %dma_wait3A_109 = arith.constant 0 : i32
      %dma_wait3A_110 = arith.constant 0 : i32
      %dma_wait3A_111 = tpu.memref_slice %arg7[%dma_wait3A_109, %dma_wait3A_110] : memref<8x3200xf32, #tpu.memory_space<vmem>> -> memref<8x3200xf32, #tpu.memory_space<vmem>>
      %dma_wait3A_112 = arith.constant 40 : i32
      %dma_wait3A_113 = tpu.memref_slice %arg6[%dma_wait3A_112, %multiple_of3A] : memref<64x100000xf32, #tpu.memory_space<hbm>> -> memref<8x3200xf32, #tpu.memory_space<hbm>>
      %dma_wait3A_114 = arith.constant 40 : i32
      %dma_wait3A_115 = tpu.memref_slice %arg6[%dma_wait3A_114, %multiple_of3A] : memref<64x100000xf32, #tpu.memory_space<hbm>> -> memref<8x3200xf32, #tpu.memory_space<hbm>>
      %dma_wait3A_116 = arith.constant 0 : i32
      %dma_wait3A_117 = arith.constant 0 : i32
      %dma_wait3A_118 = tpu.memref_slice %arg7[%dma_wait3A_116, %dma_wait3A_117] : memref<8x3200xf32, #tpu.memory_space<vmem>> -> memref<8x3200xf32, #tpu.memory_space<vmem>>
      tpu.wait_dma2 semaphore(%arg15 : memref<!tpu.dma_semaphore, #tpu.memory_space<semaphore_mem>>) src(%dma_wait3A_118 : memref<8x3200xf32, #tpu.memory_space<vmem>>) dst(%dma_wait3A_115 : memref<8x3200xf32, #tpu.memory_space<hbm>>)
      %dma_wait3A_119 = arith.constant 0 : i32
      %dma_wait3A_120 = arith.constant 0 : i32
      %dma_wait3A_121 = tpu.memref_slice %arg7[%dma_wait3A_119, %dma_wait3A_120] : memref<8x3200xf32, #tpu.memory_space<vmem>> -> memref<8x3200xf32, #tpu.memory_space<vmem>>
      %dma_wait3A_122 = arith.constant 48 : i32
      %dma_wait3A_123 = tpu.memref_slice %arg6[%dma_wait3A_122, %multiple_of3A] : memref<64x100000xf32, #tpu.memory_space<hbm>> -> memref<8x3200xf32, #tpu.memory_space<hbm>>
      %dma_wait3A_124 = arith.constant 48 : i32
      %dma_wait3A_125 = tpu.memref_slice %arg6[%dma_wait3A_124, %multiple_of3A] : memref<64x100000xf32, #tpu.memory_space<hbm>> -> memref<8x3200xf32, #tpu.memory_space<hbm>>
      %dma_wait3A_126 = arith.constant 0 : i32
      %dma_wait3A_127 = arith.constant 0 : i32
      %dma_wait3A_128 = tpu.memref_slice %arg7[%dma_wait3A_126, %dma_wait3A_127] : memref<8x3200xf32, #tpu.memory_space<vmem>> -> memref<8x3200xf32, #tpu.memory_space<vmem>>
      tpu.wait_dma2 semaphore(%arg15 : memref<!tpu.dma_semaphore, #tpu.memory_space<semaphore_mem>>) src(%dma_wait3A_128 : memref<8x3200xf32, #tpu.memory_space<vmem>>) dst(%dma_wait3A_125 : memref<8x3200xf32, #tpu.memory_space<hbm>>)
      %dma_wait3A_129 = arith.constant 0 : i32
      %dma_wait3A_130 = arith.constant 0 : i32
      %dma_wait3A_131 = tpu.memref_slice %arg7[%dma_wait3A_129, %dma_wait3A_130] : memref<8x3200xf32, #tpu.memory_space<vmem>> -> memref<8x3200xf32, #tpu.memory_space<vmem>>
      %dma_wait3A_132 = arith.constant 56 : i32
      %dma_wait3A_133 = tpu.memref_slice %arg6[%dma_wait3A_132, %multiple_of3A] : memref<64x100000xf32, #tpu.memory_space<hbm>> -> memref<8x3200xf32, #tpu.memory_space<hbm>>
      %dma_wait3A_134 = arith.constant 56 : i32
      %dma_wait3A_135 = tpu.memref_slice %arg6[%dma_wait3A_134, %multiple_of3A] : memref<64x100000xf32, #tpu.memory_space<hbm>> -> memref<8x3200xf32, #tpu.memory_space<hbm>>
      %dma_wait3A_136 = arith.constant 0 : i32
      %dma_wait3A_137 = arith.constant 0 : i32
      %dma_wait3A_138 = tpu.memref_slice %arg7[%dma_wait3A_136, %dma_wait3A_137] : memref<8x3200xf32, #tpu.memory_space<vmem>> -> memref<8x3200xf32, #tpu.memory_space<vmem>>
      tpu.wait_dma2 semaphore(%arg15 : memref<!tpu.dma_semaphore, #tpu.memory_space<semaphore_mem>>) src(%dma_wait3A_138 : memref<8x3200xf32, #tpu.memory_space<vmem>>) dst(%dma_wait3A_135 : memref<8x3200xf32, #tpu.memory_space<hbm>>)
    } else {
    }
    %eq3A_46 = arith.constant 31 : i32
    %eq3A_47 = arith.cmpi eq, %add3A, %eq3A_46 : i32
    %convert_element_type3A_48 = arith.extui %eq3A_47 : i1 to i32
    %cond3A_49 = arith.constant 0 : i32
    %cond3A_50 = arith.cmpi ne, %convert_element_type3A_48, %cond3A_49 : i32
    scf.if %cond3A_50 {
      %mul3A_57 = arith.constant 3200 : i32
      %mul3A_58 = arith.muli %add3A, %mul3A_57 : i32
      %multiple_of3A = tpu.assume_multiple %mul3A_58, 128 : i32
      %dma_wait3A_59 = arith.constant 0 : i32
      %dma_wait3A_60 = arith.constant 0 : i32
      %dma_wait3A_61 = tpu.memref_slice %arg7[%dma_wait3A_59, %dma_wait3A_60] : memref<8x3200xf32, #tpu.memory_space<vmem>> -> memref<8x896xf32, #tpu.memory_space<vmem>>
      %dma_wait3A_62 = arith.constant 0 : i32
      %dma_wait3A_63 = tpu.memref_slice %arg6[%dma_wait3A_62, %multiple_of3A] : memref<64x100000xf32, #tpu.memory_space<hbm>> -> memref<8x896xf32, #tpu.memory_space<hbm>>
      %dma_wait3A_64 = arith.constant 0 : i32
      %dma_wait3A_65 = tpu.memref_slice %arg6[%dma_wait3A_64, %multiple_of3A] : memref<64x100000xf32, #tpu.memory_space<hbm>> -> memref<8x896xf32, #tpu.memory_space<hbm>>
      %dma_wait3A_66 = arith.constant 0 : i32
      %dma_wait3A_67 = arith.constant 0 : i32
      %dma_wait3A_68 = tpu.memref_slice %arg7[%dma_wait3A_66, %dma_wait3A_67] : memref<8x3200xf32, #tpu.memory_space<vmem>> -> memref<8x896xf32, #tpu.memory_space<vmem>>
      tpu.wait_dma2 semaphore(%arg15 : memref<!tpu.dma_semaphore, #tpu.memory_space<semaphore_mem>>) src(%dma_wait3A_68 : memref<8x896xf32, #tpu.memory_space<vmem>>) dst(%dma_wait3A_65 : memref<8x896xf32, #tpu.memory_space<hbm>>)
      %dma_wait3A_69 = arith.constant 0 : i32
      %dma_wait3A_70 = arith.constant 0 : i32
      %dma_wait3A_71 = tpu.memref_slice %arg7[%dma_wait3A_69, %dma_wait3A_70] : memref<8x3200xf32, #tpu.memory_space<vmem>> -> memref<8x896xf32, #tpu.memory_space<vmem>>
      %dma_wait3A_72 = arith.constant 8 : i32
      %dma_wait3A_73 = tpu.memref_slice %arg6[%dma_wait3A_72, %multiple_of3A] : memref<64x100000xf32, #tpu.memory_space<hbm>> -> memref<8x896xf32, #tpu.memory_space<hbm>>
      %dma_wait3A_74 = arith.constant 8 : i32
      %dma_wait3A_75 = tpu.memref_slice %arg6[%dma_wait3A_74, %multiple_of3A] : memref<64x100000xf32, #tpu.memory_space<hbm>> -> memref<8x896xf32, #tpu.memory_space<hbm>>
      %dma_wait3A_76 = arith.constant 0 : i32
      %dma_wait3A_77 = arith.constant 0 : i32
      %dma_wait3A_78 = tpu.memref_slice %arg7[%dma_wait3A_76, %dma_wait3A_77] : memref<8x3200xf32, #tpu.memory_space<vmem>> -> memref<8x896xf32, #tpu.memory_space<vmem>>
      tpu.wait_dma2 semaphore(%arg15 : memref<!tpu.dma_semaphore, #tpu.memory_space<semaphore_mem>>) src(%dma_wait3A_78 : memref<8x896xf32, #tpu.memory_space<vmem>>) dst(%dma_wait3A_75 : memref<8x896xf32, #tpu.memory_space<hbm>>)
      %dma_wait3A_79 = arith.constant 0 : i32
      %dma_wait3A_80 = arith.constant 0 : i32
      %dma_wait3A_81 = tpu.memref_slice %arg7[%dma_wait3A_79, %dma_wait3A_80] : memref<8x3200xf32, #tpu.memory_space<vmem>> -> memref<8x896xf32, #tpu.memory_space<vmem>>
      %dma_wait3A_82 = arith.constant 16 : i32
      %dma_wait3A_83 = tpu.memref_slice %arg6[%dma_wait3A_82, %multiple_of3A] : memref<64x100000xf32, #tpu.memory_space<hbm>> -> memref<8x896xf32, #tpu.memory_space<hbm>>
      %dma_wait3A_84 = arith.constant 16 : i32
      %dma_wait3A_85 = tpu.memref_slice %arg6[%dma_wait3A_84, %multiple_of3A] : memref<64x100000xf32, #tpu.memory_space<hbm>> -> memref<8x896xf32, #tpu.memory_space<hbm>>
      %dma_wait3A_86 = arith.constant 0 : i32
      %dma_wait3A_87 = arith.constant 0 : i32
      %dma_wait3A_88 = tpu.memref_slice %arg7[%dma_wait3A_86, %dma_wait3A_87] : memref<8x3200xf32, #tpu.memory_space<vmem>> -> memref<8x896xf32, #tpu.memory_space<vmem>>
      tpu.wait_dma2 semaphore(%arg15 : memref<!tpu.dma_semaphore, #tpu.memory_space<semaphore_mem>>) src(%dma_wait3A_88 : memref<8x896xf32, #tpu.memory_space<vmem>>) dst(%dma_wait3A_85 : memref<8x896xf32, #tpu.memory_space<hbm>>)
      %dma_wait3A_89 = arith.constant 0 : i32
      %dma_wait3A_90 = arith.constant 0 : i32
      %dma_wait3A_91 = tpu.memref_slice %arg7[%dma_wait3A_89, %dma_wait3A_90] : memref<8x3200xf32, #tpu.memory_space<vmem>> -> memref<8x896xf32, #tpu.memory_space<vmem>>
      %dma_wait3A_92 = arith.constant 24 : i32
      %dma_wait3A_93 = tpu.memref_slice %arg6[%dma_wait3A_92, %multiple_of3A] : memref<64x100000xf32, #tpu.memory_space<hbm>> -> memref<8x896xf32, #tpu.memory_space<hbm>>
      %dma_wait3A_94 = arith.constant 24 : i32
      %dma_wait3A_95 = tpu.memref_slice %arg6[%dma_wait3A_94, %multiple_of3A] : memref<64x100000xf32, #tpu.memory_space<hbm>> -> memref<8x896xf32, #tpu.memory_space<hbm>>
      %dma_wait3A_96 = arith.constant 0 : i32
      %dma_wait3A_97 = arith.constant 0 : i32
      %dma_wait3A_98 = tpu.memref_slice %arg7[%dma_wait3A_96, %dma_wait3A_97] : memref<8x3200xf32, #tpu.memory_space<vmem>> -> memref<8x896xf32, #tpu.memory_space<vmem>>
      tpu.wait_dma2 semaphore(%arg15 : memref<!tpu.dma_semaphore, #tpu.memory_space<semaphore_mem>>) src(%dma_wait3A_98 : memref<8x896xf32, #tpu.memory_space<vmem>>) dst(%dma_wait3A_95 : memref<8x896xf32, #tpu.memory_space<hbm>>)
      %dma_wait3A_99 = arith.constant 0 : i32
      %dma_wait3A_100 = arith.constant 0 : i32
      %dma_wait3A_101 = tpu.memref_slice %arg7[%dma_wait3A_99, %dma_wait3A_100] : memref<8x3200xf32, #tpu.memory_space<vmem>> -> memref<8x896xf32, #tpu.memory_space<vmem>>
      %dma_wait3A_102 = arith.constant 32 : i32
      %dma_wait3A_103 = tpu.memref_slice %arg6[%dma_wait3A_102, %multiple_of3A] : memref<64x100000xf32, #tpu.memory_space<hbm>> -> memref<8x896xf32, #tpu.memory_space<hbm>>
      %dma_wait3A_104 = arith.constant 32 : i32
      %dma_wait3A_105 = tpu.memref_slice %arg6[%dma_wait3A_104, %multiple_of3A] : memref<64x100000xf32, #tpu.memory_space<hbm>> -> memref<8x896xf32, #tpu.memory_space<hbm>>
      %dma_wait3A_106 = arith.constant 0 : i32
      %dma_wait3A_107 = arith.constant 0 : i32
      %dma_wait3A_108 = tpu.memref_slice %arg7[%dma_wait3A_106, %dma_wait3A_107] : memref<8x3200xf32, #tpu.memory_space<vmem>> -> memref<8x896xf32, #tpu.memory_space<vmem>>
      tpu.wait_dma2 semaphore(%arg15 : memref<!tpu.dma_semaphore, #tpu.memory_space<semaphore_mem>>) src(%dma_wait3A_108 : memref<8x896xf32, #tpu.memory_space<vmem>>) dst(%dma_wait3A_105 : memref<8x896xf32, #tpu.memory_space<hbm>>)
      %dma_wait3A_109 = arith.constant 0 : i32
      %dma_wait3A_110 = arith.constant 0 : i32
      %dma_wait3A_111 = tpu.memref_slice %arg7[%dma_wait3A_109, %dma_wait3A_110] : memref<8x3200xf32, #tpu.memory_space<vmem>> -> memref<8x896xf32, #tpu.memory_space<vmem>>
      %dma_wait3A_112 = arith.constant 40 : i32
      %dma_wait3A_113 = tpu.memref_slice %arg6[%dma_wait3A_112, %multiple_of3A] : memref<64x100000xf32, #tpu.memory_space<hbm>> -> memref<8x896xf32, #tpu.memory_space<hbm>>
      %dma_wait3A_114 = arith.constant 40 : i32
      %dma_wait3A_115 = tpu.memref_slice %arg6[%dma_wait3A_114, %multiple_of3A] : memref<64x100000xf32, #tpu.memory_space<hbm>> -> memref<8x896xf32, #tpu.memory_space<hbm>>
      %dma_wait3A_116 = arith.constant 0 : i32
      %dma_wait3A_117 = arith.constant 0 : i32
      %dma_wait3A_118 = tpu.memref_slice %arg7[%dma_wait3A_116, %dma_wait3A_117] : memref<8x3200xf32, #tpu.memory_space<vmem>> -> memref<8x896xf32, #tpu.memory_space<vmem>>
      tpu.wait_dma2 semaphore(%arg15 : memref<!tpu.dma_semaphore, #tpu.memory_space<semaphore_mem>>) src(%dma_wait3A_118 : memref<8x896xf32, #tpu.memory_space<vmem>>) dst(%dma_wait3A_115 : memref<8x896xf32, #tpu.memory_space<hbm>>)
      %dma_wait3A_119 = arith.constant 0 : i32
      %dma_wait3A_120 = arith.constant 0 : i32
      %dma_wait3A_121 = tpu.memref_slice %arg7[%dma_wait3A_119, %dma_wait3A_120] : memref<8x3200xf32, #tpu.memory_space<vmem>> -> memref<8x896xf32, #tpu.memory_space<vmem>>
      %dma_wait3A_122 = arith.constant 48 : i32
      %dma_wait3A_123 = tpu.memref_slice %arg6[%dma_wait3A_122, %multiple_of3A] : memref<64x100000xf32, #tpu.memory_space<hbm>> -> memref<8x896xf32, #tpu.memory_space<hbm>>
      %dma_wait3A_124 = arith.constant 48 : i32
      %dma_wait3A_125 = tpu.memref_slice %arg6[%dma_wait3A_124, %multiple_of3A] : memref<64x100000xf32, #tpu.memory_space<hbm>> -> memref<8x896xf32, #tpu.memory_space<hbm>>
      %dma_wait3A_126 = arith.constant 0 : i32
      %dma_wait3A_127 = arith.constant 0 : i32
      %dma_wait3A_128 = tpu.memref_slice %arg7[%dma_wait3A_126, %dma_wait3A_127] : memref<8x3200xf32, #tpu.memory_space<vmem>> -> memref<8x896xf32, #tpu.memory_space<vmem>>
      tpu.wait_dma2 semaphore(%arg15 : memref<!tpu.dma_semaphore, #tpu.memory_space<semaphore_mem>>) src(%dma_wait3A_128 : memref<8x896xf32, #tpu.memory_space<vmem>>) dst(%dma_wait3A_125 : memref<8x896xf32, #tpu.memory_space<hbm>>)
      %dma_wait3A_129 = arith.constant 0 : i32
      %dma_wait3A_130 = arith.constant 0 : i32
      %dma_wait3A_131 = tpu.memref_slice %arg7[%dma_wait3A_129, %dma_wait3A_130] : memref<8x3200xf32, #tpu.memory_space<vmem>> -> memref<8x896xf32, #tpu.memory_space<vmem>>
      %dma_wait3A_132 = arith.constant 56 : i32
      %dma_wait3A_133 = tpu.memref_slice %arg6[%dma_wait3A_132, %multiple_of3A] : memref<64x100000xf32, #tpu.memory_space<hbm>> -> memref<8x896xf32, #tpu.memory_space<hbm>>
      %dma_wait3A_134 = arith.constant 56 : i32
      %dma_wait3A_135 = tpu.memref_slice %arg6[%dma_wait3A_134, %multiple_of3A] : memref<64x100000xf32, #tpu.memory_space<hbm>> -> memref<8x896xf32, #tpu.memory_space<hbm>>
      %dma_wait3A_136 = arith.constant 0 : i32
      %dma_wait3A_137 = arith.constant 0 : i32
      %dma_wait3A_138 = tpu.memref_slice %arg7[%dma_wait3A_136, %dma_wait3A_137] : memref<8x3200xf32, #tpu.memory_space<vmem>> -> memref<8x896xf32, #tpu.memory_space<vmem>>
      tpu.wait_dma2 semaphore(%arg15 : memref<!tpu.dma_semaphore, #tpu.memory_space<semaphore_mem>>) src(%dma_wait3A_138 : memref<8x896xf32, #tpu.memory_space<vmem>>) dst(%dma_wait3A_135 : memref<8x896xf32, #tpu.memory_space<hbm>>)
    } else {
    }
    %scan3A_51 = arith.constant 0 : i32
    %scan3A_52 = arith.constant 0 : i32
    %scan3A_53 = arith.constant 50 : i32
    %scan3A_54 = arith.addi %scan3A_52, %scan3A_53 : i32
    %scan3A_55 = arith.constant 1 : i32
    scf.for %scan3A_57 = %scan3A_52 to %scan3A_54 step %scan3A_55  : i32 {
      %get3A_58 = arith.index_cast %scan3A_57 : i32 to index
      %get3A_59 = tpu.vector_load %arg8[%get3A_58] {strides = array<i32>} : memref<80xi32, #tpu.memory_space<vmem>>, vector<16xi32>,
      %slice3A = vector.extract_strided_slice %get3A_59 {offsets = [0], sizes = [1], strides = [1]} : vector<16xi32> to vector<1xi32>
      %squeeze3A = vector.extract %slice3A[0] : i32 from vector<1xi32>
      %ge3A = arith.cmpi sge, %squeeze3A, %mul3A_2 : i32
      %lt3A_60 = arith.cmpi slt, %squeeze3A, %min3A_5 : i32
      %and3A = arith.andi %ge3A, %lt3A_60 : i1
      %convert_element_type3A_61 = arith.extui %and3A : i1 to i32
      %cond3A_62 = arith.constant 0 : i32
      %cond3A_63 = arith.cmpi ne, %convert_element_type3A_61, %cond3A_62 : i32
      scf.if %cond3A_63 {
        %jit3A = arith.constant 128 : i32
        %div3A = arith.divsi %squeeze3A, %jit3A : i32
        %sign3A = arith.constant 0 : i32
        %sign3A_64 = arith.cmpi sgt, %squeeze3A, %sign3A : i32
        %sign3A_65 = arith.extui %sign3A_64 : i1 to i32
        %sign3A_66 = arith.constant 0 : i32
        %sign3A_67 = arith.cmpi slt, %squeeze3A, %sign3A_66 : i32
        %sign3A_68 = arith.extui %sign3A_67 : i1 to i32
        %sign3A_69 = arith.subi %sign3A_65, %sign3A_68 : i32
        %sign3A_70 = arith.constant 0 : i32
        %sign3A_71 = arith.cmpi sgt, %jit3A, %sign3A_70 : i32
        %sign3A_72 = arith.extui %sign3A_71 : i1 to i32
        %sign3A_73 = arith.constant 0 : i32
        %sign3A_74 = arith.cmpi slt, %jit3A, %sign3A_73 : i32
        %sign3A_75 = arith.extui %sign3A_74 : i1 to i32
        %sign3A_76 = arith.subi %sign3A_72, %sign3A_75 : i32
        %ne3A = arith.cmpi ne, %sign3A_69, %sign3A_76 : i32
        %rem3A = arith.remsi %squeeze3A, %jit3A : i32
        %ne3A_77 = arith.constant 0 : i32
        %ne3A_78 = arith.cmpi ne, %rem3A, %ne3A_77 : i32
        %and3A_79 = arith.andi %ne3A, %ne3A_78 : i1
        %sub3A = arith.constant 1 : i32
        %sub3A_80 = arith.subi %div3A, %sub3A : i32
        %select_n3A = arith.select %and3A_79, %sub3A_80, %div3A : i32
        %mul3A_81 = arith.constant 128 : i32
        %mul3A_82 = arith.muli %select_n3A, %mul3A_81 : i32
        %multiple_of3A = tpu.assume_multiple %mul3A_82, 128 : i32
        %sub3A_83 = arith.subi %squeeze3A, %multiple_of3A : i32
        %add3A_84 = vector.broadcast %sub3A_83 : i32 to vector<16xi32>
        %add3A_85 = arith.addi %add3A_84, %broadcast_in_dim3A_15 : vector<16xi32>
        %dma_start3A_86 = arith.constant 0 : i32
        %dma_start3A_87 = tpu.memref_slice %arg2[%dma_start3A_86, %multiple_of3A] : memref<64x100000xf32, #tpu.memory_space<hbm>> -> memref<64x128xf32, #tpu.memory_space<hbm>>
        %dma_start3A_88 = arith.constant 0 : i32
        %dma_start3A_89 = tpu.memref_slice %arg2[%dma_start3A_88, %multiple_of3A] : memref<64x100000xf32, #tpu.memory_space<hbm>> -> memref<64x128xf32, #tpu.memory_space<hbm>>
        tpu.enqueue_dma source(%dma_start3A_89 : memref<64x128xf32, #tpu.memory_space<hbm>>) target(%arg11 : memref<64x128xf32, #tpu.memory_space<vmem>>) target_semaphore(%arg16 : memref<!tpu.dma_semaphore, #tpu.memory_space<semaphore_mem>>)
        %dma_start3A_90 = arith.constant 0 : i32
        %dma_start3A_91 = tpu.memref_slice %arg6[%dma_start3A_90, %multiple_of3A] : memref<64x100000xf32, #tpu.memory_space<hbm>> -> memref<64x128xf32, #tpu.memory_space<hbm>>
        %dma_start3A_92 = arith.constant 0 : i32
        %dma_start3A_93 = tpu.memref_slice %arg6[%dma_start3A_92, %multiple_of3A] : memref<64x100000xf32, #tpu.memory_space<hbm>> -> memref<64x128xf32, #tpu.memory_space<hbm>>
        tpu.enqueue_dma source(%dma_start3A_93 : memref<64x128xf32, #tpu.memory_space<hbm>>) target(%arg12 : memref<64x128xf32, #tpu.memory_space<vmem>>) target_semaphore(%arg16 : memref<!tpu.dma_semaphore, #tpu.memory_space<semaphore_mem>>)
        %dma_wait3A_94 = arith.constant 0 : i32
        %dma_wait3A_95 = tpu.memref_slice %arg2[%dma_wait3A_94, %multiple_of3A] : memref<64x100000xf32, #tpu.memory_space<hbm>> -> memref<64x128xf32, #tpu.memory_space<hbm>>
        %dma_wait3A_96 = arith.constant 0 : i32
        %dma_wait3A_97 = tpu.memref_slice %arg2[%dma_wait3A_96, %multiple_of3A] : memref<64x100000xf32, #tpu.memory_space<hbm>> -> memref<64x128xf32, #tpu.memory_space<hbm>>
        tpu.wait_dma2 semaphore(%arg16 : memref<!tpu.dma_semaphore, #tpu.memory_space<semaphore_mem>>) src(%dma_wait3A_97 : memref<64x128xf32, #tpu.memory_space<hbm>>) dst(%arg11 : memref<64x128xf32, #tpu.memory_space<vmem>>)
        %dma_wait3A_98 = arith.constant 0 : i32
        %dma_wait3A_99 = tpu.memref_slice %arg6[%dma_wait3A_98, %multiple_of3A] : memref<64x100000xf32, #tpu.memory_space<hbm>> -> memref<64x128xf32, #tpu.memory_space<hbm>>
        %dma_wait3A_100 = arith.constant 0 : i32
        %dma_wait3A_101 = tpu.memref_slice %arg6[%dma_wait3A_100, %multiple_of3A] : memref<64x100000xf32, #tpu.memory_space<hbm>> -> memref<64x128xf32, #tpu.memory_space<hbm>>
        tpu.wait_dma2 semaphore(%arg16 : memref<!tpu.dma_semaphore, #tpu.memory_space<semaphore_mem>>) src(%dma_wait3A_101 : memref<64x128xf32, #tpu.memory_space<hbm>>) dst(%arg12 : memref<64x128xf32, #tpu.memory_space<vmem>>)
        %add3A_102 = arith.constant 0 : i32
        %add3A_103 = vector.broadcast %add3A_102 : i32 to vector<16xi32>
        %add3A_104 = arith.addi %iota3A, %add3A_103 : vector<16xi32>
        %gather3A = tpu.vector_load_idx %arg11[%add3A_104, %add3A_85] : memref<64x128xf32, #tpu.memory_space<vmem>>[vector<16xi32>, vector<16xi32>], vector<16xf32>,
        %add3A_105 = arith.constant 16 : i32
        %add3A_106 = vector.broadcast %add3A_105 : i32 to vector<16xi32>
        %add3A_107 = arith.addi %iota3A, %add3A_106 : vector<16xi32>
        %gather3A_108 = tpu.vector_load_idx %arg11[%add3A_107, %add3A_85] : memref<64x128xf32, #tpu.memory_space<vmem>>[vector<16xi32>, vector<16xi32>], vector<16xf32>,
        %add3A_109 = arith.constant 32 : i32
        %add3A_110 = vector.broadcast %add3A_109 : i32 to vector<16xi32>
        %add3A_111 = arith.addi %iota3A, %add3A_110 : vector<16xi32>
        %gather3A_112 = tpu.vector_load_idx %arg11[%add3A_111, %add3A_85] : memref<64x128xf32, #tpu.memory_space<vmem>>[vector<16xi32>, vector<16xi32>], vector<16xf32>,
        %add3A_113 = arith.constant 48 : i32
        %add3A_114 = vector.broadcast %add3A_113 : i32 to vector<16xi32>
        %add3A_115 = arith.addi %iota3A, %add3A_114 : vector<16xi32>
        %gather3A_116 = tpu.vector_load_idx %arg11[%add3A_115, %add3A_85] : memref<64x128xf32, #tpu.memory_space<vmem>>[vector<16xi32>, vector<16xi32>], vector<16xf32>,
        %swap3A = arith.constant 0 : index
        %swap3A_117 = tpu.vector_load %arg13[%swap3A] {strides = array<i32>} : memref<16xf32, #tpu.memory_space<vmem>>, vector<16xf32>,
        tpu.vector_store %arg13[%swap3A], %broadcast_in_dim3A_13 {strides = array<i32>} : memref<16xf32, #tpu.memory_space<vmem>>, vector<16xf32>,
        %mul3A_118 = arith.mulf %get3A_28, %gather3A : vector<16xf32>
        tpu.vector_store_idx %arg13[%broadcast_in_dim3A_15], %mul3A_118 {add = true} : memref<16xf32, #tpu.memory_space<vmem>>[vector<16xi32>], vector<16xf32>,
        %mul3A_119 = arith.mulf %get3A_30, %gather3A_108 : vector<16xf32>
        tpu.vector_store_idx %arg13[%broadcast_in_dim3A_15], %mul3A_119 {add = true} : memref<16xf32, #tpu.memory_space<vmem>>[vector<16xi32>], vector<16xf32>,
        %mul3A_120 = arith.mulf %get3A_32, %gather3A_112 : vector<16xf32>
        tpu.vector_store_idx %arg13[%broadcast_in_dim3A_15], %mul3A_120 {add = true} : memref<16xf32, #tpu.memory_space<vmem>>[vector<16xi32>], vector<16xf32>,
        %mul3A_121 = arith.mulf %get3A_34, %gather3A_116 : vector<16xf32>
        tpu.vector_store_idx %arg13[%broadcast_in_dim3A_15], %mul3A_121 {add = true} : memref<16xf32, #tpu.memory_space<vmem>>[vector<16xi32>], vector<16xf32>,
        %get3A_122 = arith.constant 0 : index
        %get3A_123 = tpu.vector_load %arg13[%get3A_122] {strides = array<i32>} : memref<16xf32, #tpu.memory_space<vmem>>, vector<16xf32>,
        %slice3A_124 = vector.extract_strided_slice %get3A_123 {offsets = [0], sizes = [1], strides = [1]} : vector<16xf32> to vector<1xf32>
        %squeeze3A_125 = vector.extract %slice3A_124[0] : f32 from vector<1xf32>
        %get3A_126 = arith.index_cast %scan3A_57 : i32 to index
        %get3A_127 = tpu.vector_load %arg9[%get3A_126] {strides = array<i32>} : memref<80xf32, #tpu.memory_space<vmem>>, vector<16xf32>,
        %slice3A_128 = vector.extract_strided_slice %get3A_127 {offsets = [0], sizes = [1], strides = [1]} : vector<16xf32> to vector<1xf32>
        %squeeze3A_129 = vector.extract %slice3A_128[0] : f32 from vector<1xf32>
        %sub3A_130 = arith.subf %squeeze3A_125, %squeeze3A_129 : f32
        %mul3A_131 = arith.constant 4.000000e-02 : f32
        %mul3A_132 = arith.mulf %sub3A_130, %mul3A_131 : f32
        %mul3A_133 = vector.broadcast %mul3A_132 : f32 to vector<16xf32>
        %mul3A_134 = arith.mulf %mul3A_133, %get3A_28 : vector<16xf32>
        %mul3A_135 = arith.constant 4.000000e-06 : f32
        %mul3A_136 = vector.broadcast %mul3A_135 : f32 to vector<16xf32>
        %mul3A_137 = arith.mulf %mul3A_136, %gather3A : vector<16xf32>
        %add3A_138 = arith.addf %mul3A_134, %mul3A_137 : vector<16xf32>
        %add3A_139 = arith.constant 0 : i32
        %add3A_140 = vector.broadcast %add3A_139 : i32 to vector<16xi32>
        %add3A_141 = arith.addi %iota3A, %add3A_140 : vector<16xi32>
        tpu.vector_store_idx %arg12[%add3A_141, %add3A_85], %add3A_138 : memref<64x128xf32, #tpu.memory_space<vmem>>[vector<16xi32>, vector<16xi32>], vector<16xf32>,
        %mul3A_142 = vector.broadcast %mul3A_132 : f32 to vector<16xf32>
        %mul3A_143 = arith.mulf %mul3A_142, %get3A_30 : vector<16xf32>
        %mul3A_144 = arith.constant 4.000000e-06 : f32
        %mul3A_145 = vector.broadcast %mul3A_144 : f32 to vector<16xf32>
        %mul3A_146 = arith.mulf %mul3A_145, %gather3A_108 : vector<16xf32>
        %add3A_147 = arith.addf %mul3A_143, %mul3A_146 : vector<16xf32>
        %add3A_148 = arith.constant 16 : i32
        %add3A_149 = vector.broadcast %add3A_148 : i32 to vector<16xi32>
        %add3A_150 = arith.addi %iota3A, %add3A_149 : vector<16xi32>
        tpu.vector_store_idx %arg12[%add3A_150, %add3A_85], %add3A_147 : memref<64x128xf32, #tpu.memory_space<vmem>>[vector<16xi32>, vector<16xi32>], vector<16xf32>,
        %mul3A_151 = vector.broadcast %mul3A_132 : f32 to vector<16xf32>
        %mul3A_152 = arith.mulf %mul3A_151, %get3A_32 : vector<16xf32>
        %mul3A_153 = arith.constant 4.000000e-06 : f32
        %mul3A_154 = vector.broadcast %mul3A_153 : f32 to vector<16xf32>
        %mul3A_155 = arith.mulf %mul3A_154, %gather3A_112 : vector<16xf32>
        %add3A_156 = arith.addf %mul3A_152, %mul3A_155 : vector<16xf32>
        %add3A_157 = arith.constant 32 : i32
        %add3A_158 = vector.broadcast %add3A_157 : i32 to vector<16xi32>
        %add3A_159 = arith.addi %iota3A, %add3A_158 : vector<16xi32>
        tpu.vector_store_idx %arg12[%add3A_159, %add3A_85], %add3A_156 : memref<64x128xf32, #tpu.memory_space<vmem>>[vector<16xi32>, vector<16xi32>], vector<16xf32>,
        %mul3A_160 = vector.broadcast %mul3A_132 : f32 to vector<16xf32>
        %mul3A_161 = arith.mulf %mul3A_160, %get3A_34 : vector<16xf32>
        %mul3A_162 = arith.constant 4.000000e-06 : f32
        %mul3A_163 = vector.broadcast %mul3A_162 : f32 to vector<16xf32>
        %mul3A_164 = arith.mulf %mul3A_163, %gather3A_116 : vector<16xf32>
        %add3A_165 = arith.addf %mul3A_161, %mul3A_164 : vector<16xf32>
        %add3A_166 = arith.constant 48 : i32
        %add3A_167 = vector.broadcast %add3A_166 : i32 to vector<16xi32>
        %add3A_168 = arith.addi %iota3A, %add3A_167 : vector<16xi32>
        tpu.vector_store_idx %arg12[%add3A_168, %add3A_85], %add3A_165 : memref<64x128xf32, #tpu.memory_space<vmem>>[vector<16xi32>, vector<16xi32>], vector<16xf32>,
        %dma_start3A_169 = arith.constant 0 : i32
        %dma_start3A_170 = tpu.memref_slice %arg6[%dma_start3A_169, %multiple_of3A] : memref<64x100000xf32, #tpu.memory_space<hbm>> -> memref<64x128xf32, #tpu.memory_space<hbm>>
        %dma_start3A_171 = arith.constant 0 : i32
        %dma_start3A_172 = tpu.memref_slice %arg6[%dma_start3A_171, %multiple_of3A] : memref<64x100000xf32, #tpu.memory_space<hbm>> -> memref<64x128xf32, #tpu.memory_space<hbm>>
        tpu.enqueue_dma source(%arg12 : memref<64x128xf32, #tpu.memory_space<vmem>>) target(%dma_start3A_172 : memref<64x128xf32, #tpu.memory_space<hbm>>) target_semaphore(%arg17 : memref<!tpu.dma_semaphore, #tpu.memory_space<semaphore_mem>>)
        %dma_wait3A_173 = arith.constant 0 : i32
        %dma_wait3A_174 = tpu.memref_slice %arg6[%dma_wait3A_173, %multiple_of3A] : memref<64x100000xf32, #tpu.memory_space<hbm>> -> memref<64x128xf32, #tpu.memory_space<hbm>>
        %dma_wait3A_175 = arith.constant 0 : i32
        %dma_wait3A_176 = tpu.memref_slice %arg6[%dma_wait3A_175, %multiple_of3A] : memref<64x100000xf32, #tpu.memory_space<hbm>> -> memref<64x128xf32, #tpu.memory_space<hbm>>
        tpu.wait_dma2 semaphore(%arg17 : memref<!tpu.dma_semaphore, #tpu.memory_space<semaphore_mem>>) src(%arg12 : memref<64x128xf32, #tpu.memory_space<vmem>>) dst(%dma_wait3A_176 : memref<64x128xf32, #tpu.memory_space<hbm>>)
      } else {
      }
    }
    %scan3A_56 = arith.constant 50 : i32
    return
  }
}

</mosaic_0001>

<sc_bundles>
// kernel: kernel.3.cloned.1.call-start
scs
__scs_entry_jumppad:
0x0: {  	(pc) =	sbr.rel $0x88, $3  }
0x1: {  	(tag) =	ssettag $0x0;
	lr =	simm.s32 $0x1  }
0x2: {  	[smem:$0x3F9D] =	sst lr;
	_ =	strace $0xD0000000  }
0x3: {  	_ = 	snop  }
0x4: {  	_ = 	snop  }
0x5: {  	_ = 	snop  }
0x6: {  	_ = 	snop  }
0x7: {  	_ = 	snop  }
__scs_overlays_trampoline_lowered:
0x8: {  	[smem:$0x3FAC] =	sst s0  }
0x9: {  	[smem:$0x3FAD] =	sst s1  }
0xa: {  	[smem:$0x3FAE] =	sst s2  }
0xb: {  	[smem:$0x3FAF] =	sst s3  }
0xc: {  	[smem:$0x3FB0] =	sst s4  }
0xd: {  	[smem:$0x3FB1] =	sst s5  }
0xe: {  	[smem:$0x3FB2] =	sst s6  }
0xf: {  	[smem:$0x3FB3] =	sst s7  }
0x10: {  	[smem:$0x3FB4] =	sst s8  }
0x11: {  	[smem:$0x3FB5] =	sst s9;
	s0 =	simm.s32 @!p0 $0x0  }
0x12: {  	s1 =	sld [smem:$0x3F9B];
	s0 =	simm.s32 @p0 $0x1  }
0x13: {  	[smem:$0x3FB6] =	sst s0;
	s0 =	simm.s32 @!p1 $0x0  }
0x14: {  	s2 =	sld [smem:$0x3F9A];
	s0 =	simm.s32 @p1 $0x1  }
0x15: {  	[smem:$0x3FB7] =	sst s0;
	s0 =	simm.s32 @!p2 $0x0  }
0x16: {  	s3 =	sld [smem:$0x3FDB];
	s0 =	simm.s32 @p2 $0x1  }
0x17: {  	s4 =	simm.s32 $0x1BF5;
	[smem:$0x3FB9] =	sst s0  }
0x18: {  	s0 =	sld [smem:$0x3F9C];
	_ =	swait.ge [sflag:s4], $0x0  }
0x19: {  	s7 =	sld [smem:$0x3F9D]  }
0x1a: {  	s8 =	sadd.s32 $0xFFFFE003, lr  }
0x1b: {  	s9 =	sadd.s32 $0xFFFFFEF7, lr;
	s5 =	simm.s32 $0xFFFFFFFF;
	p2 =	slt.u32 s8, $0xFFFFF086  }
0x1c: {  	p1 =	slt.u32 s9, $0xF7A;
	s5 =	simm.s32 @!p2 $0x0  }
0x1d: {  	s5 =	simm.s32 @p1 $0x1;
	p0 =	seq.s32 s7, s2  }
0x1e: {  	s7 =	smul.u32 @!p0 $0xF7A, s2;
	p2 =	seq.s32 @!p0 s5, $0x0  }
0x1f: {  	s9 =	smul.u32 $0xF7A, s1;
	s8 =	simm.s32 @!p0 $0x1BF5;
	p2 =	por !p2, p0  }
0x20: {  	[sflag:s8] =	ssyncset.s32 @!p0 $0xFFFFF086;
	s6 =	sadd.s32 @!p0 s3, s7;
	s7 =	simm.s32 @!p0 $0x108  }
0x21: {  	s3 =	sadd.s32 s3, s9;
	s6 =	sadd.s32 @!p0 $0x88, s6;
	s7 =	simm.s32 @p2 $0x1082  }
0x22: {  	[simem:s7], [sflag:s8] =	dma.local @!p0 [hbm:s6], $0xF7A  }
0x23: {  	s9 =	sor.u32 $0xD0000000, s2;
	s6 =	simm.s32 $0x108;
	_ =	swait.ge @!p0 [sflag:s8], $0x0  }
0x24: {  	s3 =	sadd.s32 $0x88, s3;
	s6 =	simm.s32 @!p1 $0x1082;
	[sflag:s4] =	ssyncset.s32 $0xFFFFF086  }
0x25: {  	[simem:s6], [sflag:s4] =	dma.local [hbm:s3], $0xF7A  }
0x26: {  	[smem:$0x3F9D] =	sst s1;
	(tag) =	ssettag s2;
	_ =	strace s9  }
0x27: {  	s1 =	sld [smem:$0x3FAD]  }
0x28: {  	s2 =	sld [smem:$0x3FAE]  }
0x29: {  	s4 =	sld [smem:$0x3FB0]  }
0x2a: {  	p0 =	seq.s32 s5, $0x0;
	s5 =	sld [smem:$0x3FB1]  }
0x2b: {  	s6 =	sld [smem:$0x3FB2]  }
0x2c: {  	s7 =	sld [smem:$0x3FB3]  }
0x2d: {  	s3 =	simm.s32 $0x108;
	s8 =	sld [smem:$0x3FB4]  }
0x2e: {  	s3 =	simm.s32 @!p0 $0x1082;
	s9 =	sld [smem:$0x3FB5]  }
0x2f: {  	lr =	sadd.s32 s0, s3;
	s0 =	sld [smem:$0x3FAC]  }
0x30: {  	s3 =	sld [smem:$0x3FAF]  }
0x31: {  	[smem:$0x3FB8] =	sst s10  }
0x32: {  	s10 =	sld [smem:$0x3FB6];
	_ =	sdelay $0x3  }
0x33: {  	p0 =	seq.s32 s10, $0x1;
	s10 =	sld [smem:$0x3FB8];
	_ =	sdelay $0x3  }
0x34: {  	[smem:$0x3FB8] =	sst s10  }
0x35: {  	s10 =	sld [smem:$0x3FB7];
	_ =	sdelay $0x3  }
0x36: {  	p1 =	seq.s32 s10, $0x1;
	s10 =	sld [smem:$0x3FB8];
	_ =	sdelay $0x3  }
0x37: {  	[smem:$0x3FB8] =	sst s10  }
0x38: {  	s10 =	sld [smem:$0x3FB9]  }
0x39: {  	_ = 	snop;
	(pc) =	sbr.ind lr, $3  }
0x3a: {  	_ = 	snop  }
0x3b: {  	_ = 	snop  }
0x3c: {  	p2 =	seq.s32 s10, $0x1;
	s10 =	sld [smem:$0x3FB8]  }
0x3d: {  	_ =	shalt  }
0x3e: {  	_ =	shalt  }
0x3f: {  	_ =	shalt  }
0x40: {  	_ =	shalt  }
0x41: {  	_ =	shalt  }
0x42: {  	_ =	shalt  }
0x43: {  	_ =	shalt  }
0x44: {  	_ =	shalt  }
0x45: {  	_ =	shalt  }
0x46: {  	_ =	shalt  }
0x47: {  	_ =	shalt  }
0x48: {  	_ =	shalt  }
0x49: {  	_ =	shalt  }
0x4a: {  	_ =	shalt  }
0x4b: {  	_ =	shalt  }
0x4c: {  	_ =	shalt  }
0x4d: {  	_ =	shalt  }
0x4e: {  	_ =	shalt  }
0x4f: {  	_ =	shalt  }
0x50: {  	_ =	shalt  }
0x51: {  	_ =	shalt  }
0x52: {  	_ =	shalt  }
0x53: {  	_ =	shalt  }
0x54: {  	_ =	shalt  }
0x55: {  	_ =	shalt  }
0x56: {  	_ =	shalt  }
0x57: {  	_ =	shalt  }
0x58: {  	_ =	shalt  }
0x59: {  	_ =	shalt  }
0x5a: {  	_ =	shalt  }
0x5b: {  	_ =	shalt  }
0x5c: {  	_ =	shalt  }
0x5d: {  	_ =	shalt  }
0x5e: {  	_ =	shalt  }
0x5f: {  	_ =	shalt  }
0x60: {  	_ =	shalt  }
0x61: {  	_ =	shalt  }
0x62: {  	_ =	shalt  }
0x63: {  	_ =	shalt  }
0x64: {  	_ =	shalt  }
0x65: {  	_ =	shalt  }
0x66: {  	_ =	shalt  }
0x67: {  	_ =	shalt  }
0x68: {  	_ =	shalt  }
0x69: {  	_ =	shalt  }
0x6a: {  	_ =	shalt  }
0x6b: {  	_ =	shalt  }
0x6c: {  	_ =	shalt  }
0x6d: {  	_ =	shalt  }
0x6e: {  	_ =	shalt  }
0x6f: {  	_ =	shalt  }
0x70: {  	_ =	shalt  }
0x71: {  	_ =	shalt  }
0x72: {  	_ =	shalt  }
0x73: {  	_ =	shalt  }
0x74: {  	_ =	shalt  }
0x75: {  	_ =	shalt  }
0x76: {  	_ =	shalt  }
0x77: {  	_ =	shalt  }
0x78: {  	_ =	shalt  }
0x79: {  	_ =	shalt  }
0x7a: {  	_ =	shalt  }
0x7b: {  	_ =	shalt  }
0x7c: {  	_ =	shalt  }
0x7d: {  	_ =	shalt  }
0x7e: {  	_ =	shalt  }
0x7f: {  	_ =	shalt  }
0x80: {  	_ =	shalt  }
0x81: {  	_ =	shalt  }
0x82: {  	_ =	shalt  }
0x83: {  	_ =	shalt  }
0x84: {  	_ =	shalt  }
0x85: {  	_ =	shalt  }
0x86: {  	_ =	shalt  }
0x87: {  	_ =	shalt  }
.Lfunc_end0:
.L_simem_size_0:
called_computation_lowered:
.L_overlay_start_0:
0x88: {  	s2 =	sld [smem:$0x3FD9]  }
0x89: {  	s3 =	sld [smem:$0x3FFE];
	_ =	sdelay $0x1  }
0x8a: {  	s1 =	srdreg.scid  }
0x8b: {  	s0 =	sand.u32 $0x1, s1  }
0x8c: {  	s18 =	sshll.u32 s0, $0xA;
	s2 =	sadd.s32 s3, s2  }
0x8d: {  	s2 =	sadd.s32 s2, s18  }
0x8e: {  	[smem:$0x3FC4] =	sst s2  }
0x8f: {  	_ = 	snop  }
0x90: {  	s2 =	sld [smem:$0x3FC9]  }
0x91: {  	s19 =	sld [smem:$0x3FC8]  }
0x92: {  	s4 =	sld [smem:$0x3FC7]  }
0x93: {  	s5 =	sld [smem:$0x3FC6]  }
0x94: {  	s6 =	sld [smem:$0x3FD0];
	(tm) =	ssettm $0x1  }
0x95: {  	s7 =	sld [smem:$0x3FFB];
	_ =	sdelay $0x3  }
0x96: {  	_ =	strace s7  }
0x97: {  	s7 =	sld [smem:$0x3FFC];
	_ =	sdelay $0x3  }
0x98: {  	_ =	strace s7  }
0x99: {  	s7 =	sld [smem:$0x3FFD];
	_ =	sdelay $0x3  }
0x9a: {  	_ =	strace s7  }
0x9b: {  	_ =	strace $0x8FFFFFFF  }
0x9c: {  	s20 =	sld [smem:$0x3FDB];
	_ =	sdelay $0x1  }
0x9d: {  	s8 =	simm.s32 $_scs_section_size  }
0x9e: {  	s9 =	simm.s32 $_size__tile_overlayer_lowered;
	s10 =	simm.s32 $_tile_overlayer_lowered  }
0x9f: {  	s23 =	simm.s32 $0x1BFF;
	s22 =	sshll.u32 s10, $0x1;
	s7 =	sadd.s32 s8, s20  }
0xa0: {  	s11 =	simm.s32 $0x0;
	s21 =	sshll.u32 s9, $0x1;
	s9 =	sadd.s32 s22, s7  }
0xa1: {  	[timem:s11], [sflag:s23] =	dma.local [hbm:s9], s21  }
0xa2: {  	_ =	swait.ge [sflag:s23], s21  }
0xa3: {  	s8 =	ssub.s32 $0x0, s21;
	[sflag:s23] =	ssyncset.done $0x0  }
0xa4: {  	[sflag:s23] =	ssyncadd.s32 s8;
	_ =	sdelay $0x1  }
0xa5: {  	s24 =	simm.s32 $0x1B8B  }
0xa6: {  	_ =	swait.ge [sflag:s24], $0x1  }
0xa7: {  	[sflag:s24] =	ssyncset.done $0x0  }
0xa8: {  	s25 =	simm.s32 $0x1B8E;
	[sflag:s24] =	ssyncadd.s32 $0xFFFFFFFF  }
0xa9: {  	s26 =	simm.s32 $execute0_lowered;
	[smem:$0x3FD2] =	sst s25  }
0xaa: {  	s8 =	sshll.u32 s26, $0x1;
	_ =	strace $0x80000046;
	[dreg:$0x1] =	wrdreg $0xFFFFFFFF  }
0xab: {  	s28 =	simm.s32 $_size_execute0_lowered;
	s7 =	sadd.s32 s7, s8;
	[dreg:$0x0] =	wrdreg $0x0  }
0xac: {  	s8 =	sshll.u32 s28, $0x1;
	[dreg:$0x2] =	wrdreg s7  }
0xad: {  	[dreg:$0x3] =	wrdreg s8  }
0xae: {  	[dreg:$0x4] =	wrdreg $0xC0  }
0xaf: {  	_ =	task [dreg:s11], $0x5FFFF  }
0xb0: {  	[dreg:$0x1] =	wrdreg $0xFFFFFFFF  }
0xb1: {  	[dreg:$0x0] =	wrdreg $0x60  }
0xb2: {  	[dreg:$0x2] =	wrdreg s2  }
0xb3: {  	[dreg:$0x3] =	wrdreg s19  }
0xb4: {  	[dreg:$0x4] =	wrdreg s4  }
0xb5: {  	[dreg:$0x5] =	wrdreg s5  }
0xb6: {  	[dreg:$0x6] =	wrdreg s6  }
0xb7: {  	[dreg:$0x7] =	wrdreg $0x9  }
0xb8: {  	_ =	task.clear_ibuf [dreg:s11], $0x8FFFF;
	_ =	strace $0x90000046  }
0xb9: {  	s29 =	simm.s32 $0x9;
	_ =	strace $0x80000048  }
0xba: {  	_ =	swait.ge [sflag:s29], $0x1  }
0xbb: {  	[sflag:s29] =	ssyncadd.s32 $0xFFFFFFFF  }
0xbc: {  	_ =	strace $0x90000048  }
0xbd: {  	_ =	sfence  }
0xbe: {  	s30 =	sld [smem:$0x0];
	_ =	sdelay $0x2  }
0xbf: {  	s31 =	sshll.u32 s1, $0xD;
	s1 =	sshrl.u32 s1, $0x2  }
0xc0: {  	s3 =	sand.u32 $0x4000, s31;
	s1 =	sadd.s32 s1, s30  }
0xc1: {  	s0 =	sor.u32 s3, s0;
	s1 =	sshll.u32 s1, $0x11  }
0xc2: {  	s0 =	sor.u32 s1, s0  }
0xc3: {  	s0 =	sadd.s32 $0x8F2B, s0  }
0xc4: {  	[sflag:s0] =	ssyncadd.remote.s32 $0x1  }
0xc5: {  	_ =	sfence.sel $0xFFFF  }
0xc6: {  	[dreg:$0x0] =	wrdreg $0xFFFFFFFF;
	(pc) =	sbr.abs _section_cstart, $3  }
0xc7: {  	[dreg:$0x1] =	wrdreg $0xFFFFFFFF  }
0xc8: {  	_ =	task.clear_ibuf [dreg:s11], $0x2FFFF;
	_ =	strace $0x9FFFFFFF  }
0xc9: {  	(tm) =	ssettm $0x7FFFFFFF  }
tec
execute0_lowered:
.L_overlay_start_1:
0x0: {  	(tag) =	ssettag $0x1  }
0x1: {  	s0 =	rddreg [dreg:$0x0];
	s1 =	srdreg.scid  }
0x2: {  	s3 =	stileid.u32;
	s6 =	rddreg [dreg:$0x4];
	s1 =	sand.u32 $0x1, s1  }
0x3: {  	s7 =	simm.s32 $0x0;
	s31 =	simm.s32 $0x1;
	s2 =	sshll.u32 s1, $0x4  }
0x4: {  	s5 =	simm.s32 $0x3;
	s28 =	simm.s32 $0xA580;
	s2 =	sor.u32 s3, s2  }
0x5: {  	s29 =	simm.s32 $0x4;
	s30 =	simm.s32 $0x0;
	s3 =	smul.u32 $0x6400, s2  }
0x6: {  	[smem:$0x7FF] =	sst s7;
	s18 =	sadd.s32 $0x18380, s6;
	s19 =	sadd.s32 $0x30A80, s6  }
0x7: {  	s1 =	ssub.s32 $0x2, s1;
	_ =	strace $0x80000047;
	s3 =	sshrl.u32 s3, $0x3  }
0x8: {  	s4 =	sshrl.u32 s1, $0x1;
	s8 =	smul.u32 $0xC80, s2;
	s9 =	sadd.s32 s6, s3  }
0x9: {  	s1 =	ssub.s32 s1, s4;
	p0 =	seq.s32 s2, $0x1F;
	s3 =	sadd.s32 $0x18700, s9  }
0xa: {  	s4 =	simm.s32 $0x400;
	s21 =	sadd.s32 $0x30E00, s9;
	[dreg:$0x6] =	wrdreg s3  }
0xb: {  	s2 =	simm.s32 $0xC3800;
	s22 =	sadd.s32 $0x49500, s9;
	[dreg:$0x7] =	wrdreg s21  }
0xc: {  	s20 =	smin.u32 s8, $0x17A20;
	s23 =	sadd.s32 $0x61C00, s9;
	[dreg:$0x8] =	wrdreg s22  }
0xd: {  	s10 =	sadd.s32 $0xC80, s20;
	s24 =	sadd.s32 $0x7A300, s9;
	[dreg:$0x9] =	wrdreg s23  }
.Ltmp0:
0xe: {  	s25 =	sadd.s32 $0x92A00, s9;
	[dreg:$0xa] =	wrdreg s24;
	(pc) =	sbr.rel .LBB2_1-.Ltmp0, $4  }
0xf: {  	v0 =	vlaneseq.u32;
	s20 =	sadd.s32 $0x49180, s6;
	s26 =	sadd.s32 $0xAB100, s9;
	[dreg:$0xb] =	wrdreg s25  }
0x10: {  	v0 =	vmul.u32 $0x80, v0;
	[dreg:$0xc] =	wrdreg s26;
	s21 =	sadd.s32 $0x61880, s6;
	s22 =	sadd.s32 $0x79F80, s6  }
0x11: {  	v1 =	vimm.f32 $0.0e+00;
	v5 =	vimm.s32 $0x0;
	s23 =	sadd.s32 $0x92680, s6;
	s24 =	sadd.s32 $0xAAD80, s6;
	s25 =	smax.u32 s1, $0x1  }
0x12: {  	v2 =	vor.u32 $0x800, v0;
	v3 =	vor.u32 $0x1000, v0;
	v4 =	vor.u32 $0x1800, v0;
	s26 =	sadd.s32 $0xC3480, s6;
	s1 =	simm.s32 $0x6580;
	s3 =	simm.s32 $0x8580  }
.LBB2_7:
0x13: {  	s30 =	sadd.s32 $0x1, s30  }
0x14: {  	p1 =	sne.s32 s30, s25  }
.Ltmp1:
0x15: {  	_ = 	snop;
	(pc) =	sbr.rel @!p1 .LBB2_8-.Ltmp1, $1  }
0x16: {  	_ =	sdelay $0x3  }
.LBB2_1:
0x17: {  	s11 =	rddreg [dreg:$0x1];
	s12 =	simm.s32 $0x6400;
	s13 =	simm.s32 $0x6480  }
0x18: {  	[tilespmem:s12], [sflag:$0x1] =	stream.linear.gather [hbm4b:s11+s7], $0x32, $0x38;
	[tilespmem:$0xA600] =	vst v63  }
0x19: {  	s16 =	sand.u32 $0x70, s7;
	s17 =	sand.u32 $0x7C00, s7;
	s12 =	rddreg [dreg:$0x2]  }
0x1a: {  	[tilespmem:s13], [sflag:$0x1] =	stream.linear.gather [hbm4b:s12+s7], $0x32, $0x38;
	[tilespmem:$0xA600] =	vst v63  }
0x1b: {  	s14 =	rddreg [dreg:$0x3];
	s15 =	simm.s32 $0x6500;
	s11 =	sor.u32 s16, s17  }
0x1c: {  	[tilespmem:s15], [sflag:$0x1] =	stream.linear.gather [hbm4b:s14+s7], $0x80, $0x38;
	[tilespmem:$0xA600] =	vst v63  }
0x1d: {  	[tilespmem:s11+$0x80] =	vst v1  }
0x1e: {  	[tilespmem:s11+$0x100] =	vst v1  }
0x1f: {  	s13 =	simm.s32 $0x10;
	[tilespmem:s11+$0x180] =	vst v1  }
0x20: {  	s12 =	simm.s32 $0x0;
	s15 =	sand.u32 $0x7, s7;
	s14 =	simm.s32 $0x0;
	[tilespmem:s11+$0x200] =	vst v1  }
.LBB2_2:
0x21: {  	p1 =	sne.s32 s13, $0xC70;
	s15 =	sshll.u32 s15, $0x4;
	[tilespmem:s11+$0x280] =	vst v1  }
0x22: {  	s15 =	sadd.s32 s15, s12;
	[tilespmem:s11+$0x300] =	vst v1;
	s12 =	sadd.s32 $0x80, s12  }
0x23: {  	s16 =	sand.u32 $0x70, s13;
	s17 =	sand.u32 $0x7C00, s12;
	[tilespmem:s11+$0x0] =	vst v1;
	s15 =	sor.u32 $0x380, s15  }
.Ltmp2:
0x24: {  	s11 =	sor.u32 s16, s17;
	[tilespmem:s15+$0x0] =	vst v1;
	(pc) =	sbr.rel @p1 .LBB2_2-.Ltmp2, $4  }
0x25: {  	[tilespmem:s11+$0x80] =	vst v1  }
0x26: {  	[tilespmem:s11+$0x100] =	vst v1  }
0x27: {  	s14 =	sadd.s32 $0x1, s14;
	[tilespmem:s11+$0x180] =	vst v1  }
0x28: {  	s13 =	sadd.s32 $0x10, s13;
	s15 =	sand.u32 $0x7, s14;
	[tilespmem:s11+$0x200] =	vst v1  }
0x29: {  	s13 =	sshll.u32 s15, $0x4;
	[tilespmem:s11+$0x280] =	vst v1  }
0x2a: {  	[tilespmem:s11+$0x300] =	vst v1;
	s12 =	sadd.s32 s13, s12  }
0x2b: {  	[tilespmem:s11+$0x0] =	vst v1;
	s17 =	sor.u32 $0x380, s12  }
0x2c: {  	[tilespmem:s17+$0x0] =	vst v1  }
0x2d: {  	_ =	swait.ge [sflag:s31], $0x32  }
0x2e: {  	[sflag:s31] =	ssyncset.done $0x0  }
0x2f: {  	[sflag:s31] =	ssyncadd.s32 $0xFFFFFFCE  }
0x30: {  	_ =	swait.ge [sflag:s31], $0x32  }
0x31: {  	[sflag:s31] =	ssyncset.done $0x0  }
0x32: {  	[sflag:s31] =	ssyncadd.s32 $0xFFFFFFCE  }
0x33: {  	_ =	swait.ge [sflag:s31], $0x80  }
0x34: {  	[sflag:s31] =	ssyncset.done $0x0  }
0x35: {  	[sflag:s31] =	ssyncadd.s32 $0xFFFFFF80  }
0x36: {  	v6 =	vld [tilespmem:$0x6500]  }
0x37: {  	v7 =	vld [tilespmem:$0x6510]  }
0x38: {  	s11 =	simm.s32 @p0 $0x0;
	v8 =	vld [tilespmem:$0x6520]  }
0x39: {  	v9 =	vld [tilespmem:$0x6530];
	[hbm4b:s18+s11] =	stream.linear.scatter @p0 [tilespmem:s11], [sflag:$0x2], $0x1C00, $0x38  }
0x3a: {  	_ = 	snop  }
0x3b: {  	[hbm4b:s19+s11] =	stream.linear.scatter @p0 [tilespmem:s11], [sflag:$0x2], $0x1C00, $0x38;
	[tilespmem:$0xA600] =	vst v63  }
0x3c: {  	_ = 	snop  }
0x3d: {  	[hbm4b:s20+s11] =	stream.linear.scatter @p0 [tilespmem:s11], [sflag:$0x2], $0x1C00, $0x38;
	[tilespmem:$0xA600] =	vst v63  }
0x3e: {  	_ = 	snop  }
0x3f: {  	[hbm4b:s21+s11] =	stream.linear.scatter @p0 [tilespmem:s11], [sflag:$0x2], $0x1C00, $0x38;
	[tilespmem:$0xA600] =	vst v63  }
0x40: {  	_ = 	snop  }
0x41: {  	[hbm4b:s22+s11] =	stream.linear.scatter @p0 [tilespmem:s11], [sflag:$0x2], $0x1C00, $0x38;
	[tilespmem:$0xA600] =	vst v63  }
0x42: {  	_ = 	snop  }
0x43: {  	[hbm4b:s23+s11] =	stream.linear.scatter @p0 [tilespmem:s11], [sflag:$0x2], $0x1C00, $0x38;
	[tilespmem:$0xA600] =	vst v63  }
0x44: {  	_ = 	snop  }
0x45: {  	[hbm4b:s24+s11] =	stream.linear.scatter @p0 [tilespmem:s11], [sflag:$0x2], $0x1C00, $0x38;
	[tilespmem:$0xA600] =	vst v63  }
0x46: {  	_ = 	snop  }
0x47: {  	[hbm4b:s26+s11] =	stream.linear.scatter @p0 [tilespmem:s11], [sflag:$0x2], $0x1C00, $0x38;
	[tilespmem:$0xA600] =	vst v63  }
0x48: {  	s11 =	simm.s32 @p0 $0x2  }
0x49: {  	_ =	swait.ge @p0 [sflag:s11], $0x1C00  }
0x4a: {  	[sflag:s11] =	ssyncset.done @p0 $0x0  }
0x4b: {  	[sflag:s11] =	ssyncadd.s32 @p0 $0xFFFFE400  }
0x4c: {  	_ =	swait.ge @p0 [sflag:s11], $0x1C00  }
0x4d: {  	[sflag:s11] =	ssyncset.done @p0 $0x0  }
0x4e: {  	[sflag:s11] =	ssyncadd.s32 @p0 $0xFFFFE400  }
0x4f: {  	_ =	swait.ge @p0 [sflag:s11], $0x1C00  }
0x50: {  	[sflag:s11] =	ssyncset.done @p0 $0x0  }
0x51: {  	[sflag:s11] =	ssyncadd.s32 @p0 $0xFFFFE400  }
0x52: {  	_ =	swait.ge @p0 [sflag:s11], $0x1C00  }
0x53: {  	[sflag:s11] =	ssyncset.done @p0 $0x0  }
0x54: {  	[sflag:s11] =	ssyncadd.s32 @p0 $0xFFFFE400  }
0x55: {  	_ =	swait.ge @p0 [sflag:s11], $0x1C00  }
0x56: {  	[sflag:s11] =	ssyncset.done @p0 $0x0  }
0x57: {  	[sflag:s11] =	ssyncadd.s32 @p0 $0xFFFFE400  }
0x58: {  	_ =	swait.ge @p0 [sflag:s11], $0x1C00  }
0x59: {  	[sflag:s11] =	ssyncset.done @p0 $0x0  }
0x5a: {  	[sflag:s11] =	ssyncadd.s32 @p0 $0xFFFFE400  }
0x5b: {  	_ =	swait.ge @p0 [sflag:s11], $0x1C00  }
0x5c: {  	[sflag:s11] =	ssyncset.done @p0 $0x0  }
0x5d: {  	[sflag:s11] =	ssyncadd.s32 @p0 $0xFFFFE400  }
0x5e: {  	_ =	swait.ge @p0 [sflag:s11], $0x1C00  }
0x5f: {  	[sflag:s11] =	ssyncset.done @p0 $0x0  }
0x60: {  	[sflag:s11] =	ssyncadd.s32 @p0 $0xFFFFE400;
	s11 =	simm.s32 @!p0 $0x0  }
0x61: {  	[hbm4b:s9+s11] =	stream.linear.scatter @!p0 [tilespmem:s11], [sflag:$0x2], $0x6400, $0x38;
	[tilespmem:$0xA600] =	vst v63  }
0x62: {  	s12 =	rddreg [dreg:$0x6]  }
0x63: {  	[hbm4b:s12+s11] =	stream.linear.scatter @!p0 [tilespmem:s11], [sflag:$0x2], $0x6400, $0x38;
	[tilespmem:$0xA600] =	vst v63  }
0x64: {  	s12 =	rddreg [dreg:$0x7]  }
0x65: {  	[hbm4b:s12+s11] =	stream.linear.scatter @!p0 [tilespmem:s11], [sflag:$0x2], $0x6400, $0x38;
	[tilespmem:$0xA600] =	vst v63  }
0x66: {  	s12 =	rddreg [dreg:$0x8]  }
0x67: {  	[hbm4b:s12+s11] =	stream.linear.scatter @!p0 [tilespmem:s11], [sflag:$0x2], $0x6400, $0x38;
	[tilespmem:$0xA600] =	vst v63  }
0x68: {  	s12 =	rddreg [dreg:$0x9]  }
0x69: {  	[hbm4b:s12+s11] =	stream.linear.scatter @!p0 [tilespmem:s11], [sflag:$0x2], $0x6400, $0x38;
	[tilespmem:$0xA600] =	vst v63  }
0x6a: {  	s12 =	rddreg [dreg:$0xa]  }
0x6b: {  	[hbm4b:s12+s11] =	stream.linear.scatter @!p0 [tilespmem:s11], [sflag:$0x2], $0x6400, $0x38;
	[tilespmem:$0xA600] =	vst v63  }
0x6c: {  	s12 =	rddreg [dreg:$0xb]  }
0x6d: {  	[hbm4b:s12+s11] =	stream.linear.scatter @!p0 [tilespmem:s11], [sflag:$0x2], $0x6400, $0x38;
	[tilespmem:$0xA600] =	vst v63  }
0x6e: {  	s12 =	rddreg [dreg:$0xc]  }
0x6f: {  	[hbm4b:s12+s11] =	stream.linear.scatter @!p0 [tilespmem:s11], [sflag:$0x2], $0x6400, $0x38;
	[tilespmem:$0xA600] =	vst v63  }
0x70: {  	s11 =	simm.s32 @!p0 $0x2  }
0x71: {  	_ =	swait.ge @!p0 [sflag:s11], $0x6400  }
0x72: {  	[sflag:s11] =	ssyncset.done @!p0 $0x0  }
0x73: {  	[sflag:s11] =	ssyncadd.s32 @!p0 $0xFFFF9C00  }
0x74: {  	_ =	swait.ge @!p0 [sflag:s11], $0x6400  }
0x75: {  	[sflag:s11] =	ssyncset.done @!p0 $0x0  }
0x76: {  	[sflag:s11] =	ssyncadd.s32 @!p0 $0xFFFF9C00  }
0x77: {  	_ =	swait.ge @!p0 [sflag:s11], $0x6400  }
0x78: {  	[sflag:s11] =	ssyncset.done @!p0 $0x0  }
0x79: {  	[sflag:s11] =	ssyncadd.s32 @!p0 $0xFFFF9C00  }
0x7a: {  	_ =	swait.ge @!p0 [sflag:s11], $0x6400  }
0x7b: {  	[sflag:s11] =	ssyncset.done @!p0 $0x0  }
0x7c: {  	[sflag:s11] =	ssyncadd.s32 @!p0 $0xFFFF9C00  }
0x7d: {  	_ =	swait.ge @!p0 [sflag:s11], $0x6400  }
0x7e: {  	[sflag:s11] =	ssyncset.done @!p0 $0x0  }
0x7f: {  	[sflag:s11] =	ssyncadd.s32 @!p0 $0xFFFF9C00  }
0x80: {  	_ =	swait.ge @!p0 [sflag:s11], $0x6400  }
0x81: {  	[sflag:s11] =	ssyncset.done @!p0 $0x0  }
0x82: {  	[sflag:s11] =	ssyncadd.s32 @!p0 $0xFFFF9C00  }
0x83: {  	_ =	swait.ge @!p0 [sflag:s11], $0x6400  }
.Ltmp3:
0x84: {  	[sflag:s11] =	ssyncset.done @!p0 $0x0;
	(pc) =	sbr.rel .LBB2_4-.Ltmp3, $4  }
0x85: {  	[sflag:s11] =	ssyncadd.s32 @!p0 $0xFFFF9C00  }
0x86: {  	_ =	swait.ge @!p0 [sflag:s11], $0x6400  }
0x87: {  	[sflag:s11] =	ssyncset.done @!p0 $0x0  }
0x88: {  	[sflag:s11] =	ssyncadd.s32 @!p0 $0xFFFF9C00;
	s11 =	simm.s32 $0x0  }
.LBB2_6:
0x89: {  	s11 =	sadd.s32 $0x4, s11  }
0x8a: {  	p1 =	sne.s32 s11, $0xC8  }
.Ltmp4:
0x8b: {  	_ = 	snop;
	(pc) =	sbr.rel @!p1 .LBB2_7-.Ltmp4, $1  }
0x8c: {  	_ =	sdelay $0x3  }
.LBB2_4:
0x8d: {  	s12 =	sshra.s32 s11, $0x2  }
0x8e: {  	v10 =	vld [tilespmem:s12+$0x6400];
	_ =	sdelay $0x4  }
0x8f: {  	(v2sf) =	vpush v10, $0x0;
	_ =	sdelay $0xe  }
0x90: {  	s13 =	spop (v2sf)  }
0x91: {  	p1 =	slt.s32 s13, s8  }
0x92: {  	p2 =	sge.s32 @!p1 s13, s10  }
0x93: {  	p1 =	por p1, p2  }
.Ltmp5:
0x94: {  	_ = 	snop;
	(pc) =	sbr.rel @p1 .LBB2_6-.Ltmp5, $1  }
0x95: {  	_ =	sdelay $0x3  }
0x96: {  	s14 =	sand.u32 $0x7F, s13  }
0x97: {  	p1 =	slt.s32 s13, $0x1;
	p2 =	sne.s32 s14, $0x0  }
0x98: {  	p1 =	por !p1, !p2  }
0x99: {  	s14 =	simm.s32 $0xFFFFFFFF;
	p1 =	por !p1, !p1  }
0x9a: {  	s14 =	simm.s32 @!p1 $0x0  }
0x9b: {  	s14 =	sshll.u32 s14, $0x7  }
0x9c: {  	s14 =	sadd.s32 s13, s14  }
0x9d: {  	s15 =	sand.u32 $0x1FFFFF80, s14  }
0x9e: {  	s16 =	sadd.s32 s0, s15  }
0x9f: {  	[tilespmem:s1], [sflag:$0x3] =	stream.strided.gather [hbm4b:s16+s4], $0x2000, s2, s4, $0x38;
	[tilespmem:$0xA600] =	vst v63  }
0xa0: {  	s14 =	sand.u32 $0xFFFFFF80, s14;
	s15 =	sadd.s32 s6, s15  }
0xa1: {  	[tilespmem:s3], [sflag:$0x3] =	stream.strided.gather [hbm4b:s15+s4], $0x2000, s2, s4, $0x38;
	[tilespmem:$0xA600] =	vst v63  }
0xa2: {  	s14 =	ssub.s32 s13, s14;
	_ =	swait.ge [sflag:s5], $0x2000  }
0xa3: {  	v10 =	vadd.s32 s14, v0;
	[sflag:s5] =	ssyncset.done $0x0  }
0xa4: {  	v11 =	vadd.s32 s14, v2;
	[sflag:s5] =	ssyncadd.s32 $0xFFFFE000  }
0xa5: {  	v12 =	vadd.s32 s14, v3;
	_ =	swait.ge [sflag:s5], $0x2000  }
0xa6: {  	v13 =	vadd.s32 s14, v4;
	[sflag:s5] =	ssyncset.done $0x0  }
0xa7: {  	[sflag:s5] =	ssyncadd.s32 $0xFFFFE000  }
0xa8: {  	v14 =	vld.idx.msk [tilespmem:v10+s1+$0x0], $0xffff  }
0xa9: {  	v15 =	vld.idx.msk [tilespmem:v11+s1+$0x0], $0xffff  }
0xaa: {  	v16 =	vld.idx.msk [tilespmem:v12+s1+$0x0], $0xffff  }
0xab: {  	v17 =	vld.idx.msk [tilespmem:v13+s1+$0x0], $0xffff;
	_ =	sdelay $0x1  }
0xac: {  	v18 =	vmul.f32 v14, v6  }
0xad: {  	[tilespmem:$0xA580] =	vst v1;
	v19 =	vmul.f32 v15, v7  }
0xae: {  	v58 =	vmul.f32 v16, v8;
	[tilespmem:v5+s28+$0x0] =	vst.idx.add.f32.msk $0xffff, v18  }
0xaf: {  	v59 =	vmul.f32 v17, v9;
	[tilespmem:v5+s28+$0x0] =	vst.idx.add.f32.msk $0xffff, v19  }
0xb0: {  	[tilespmem:v5+s28+$0x0] =	vst.idx.add.f32.msk $0xffff, v58  }
0xb1: {  	[tilespmem:v5+s28+$0x0] =	vst.idx.add.f32.msk $0xffff, v59  }
0xb2: {  	v18 =	vld [tilespmem:$0xA580]  }
0xb3: {  	v19 =	vld [tilespmem:s12+$0x6480];
	_ =	sdelay $0x3  }
0xb4: {  	(v2sf) =	vpush v18, $0x0  }
0xb5: {  	(v2sf) =	vpush v19, $0x0;
	_ =	sdelay $0xd  }
0xb6: {  	s16 =	spop (v2sf)  }
0xb7: {  	s17 =	spop (v2sf)  }
0xb8: {  	s12 =	ssub.f32 s16, s17;
	_ =	sdelay $0x1  }
0xb9: {  	s12 =	smul.f32 $3.999999910e-02, s12;
	_ =	sdelay $0x1  }
0xba: {  	v14 =	vmul.f32 $3.999999990e-06, v14;
	v60 =	vmul.f32 s12, v6  }
0xbb: {  	v15 =	vmul.f32 $3.999999990e-06, v15;
	v61 =	vmul.f32 s12, v7  }
0xbc: {  	v16 =	vmul.f32 $3.999999990e-06, v16;
	v62 =	vmul.f32 s12, v8;
	v14 =	vadd.f32 v60, v14  }
0xbd: {  	v17 =	vmul.f32 $3.999999990e-06, v17;
	v63 =	vmul.f32 s12, v9;
	v15 =	vadd.f32 v61, v15  }
0xbe: {  	[tilespmem:v10+s3+$0x0] =	vst.idx.msk $0xffff, v14;
	v10 =	vadd.f32 v62, v16  }
0xbf: {  	[tilespmem:v11+s3+$0x0] =	vst.idx.msk $0xffff, v15;
	v11 =	vadd.f32 v63, v17  }
0xc0: {  	[tilespmem:v12+s3+$0x0] =	vst.idx.msk $0xffff, v10  }
.Ltmp6:
0xc1: {  	[tilespmem:v13+s3+$0x0] =	vst.idx.msk $0xffff, v11;
	(pc) =	sbr.rel .LBB2_6-.Ltmp6, $4  }
0xc2: {  	[hbm4b:s15+s4] =	stream.strided.scatter [tilespmem:s3], [sflag:$0x4], $0x2000, s2, s4, $0x38;
	[tilespmem:$0xA600] =	vst v63  }
0xc3: {  	_ =	swait.ge [sflag:s29], $0x2000  }
0xc4: {  	[sflag:s29] =	ssyncset.done $0x0  }
0xc5: {  	[sflag:s29] =	ssyncadd.s32 $0xFFFFE000  }
.LBB2_8:
0xc6: {  	_ =	sfence.sel $0x180000  }
0xc7: {  	[bflag:$0x0] =	sbarrier.arrive $0xFFFF  }
0xc8: {  	_ =	strace $0x90000047  }
0xc9: {  	s0 =	stileid.u32;
	[bflag:$0x2] =	sbarrier.arrive $0xFFFF  }
0xca: {  	p0 =	sne.s32 s0, $0x0;
	s0 =	rddreg [dreg:$0x5]  }
0xcb: {  	s0 =	sadd.s32 @!p0 $0x100000, s0  }
0xcc: {  	[sflag:s0] =	ssyncadd.tile.s32 @!p0 $0x1;
	_ =	shalt  }
.Lfunc_end2:
_tile_overlayer_lowered:
.L_overlay_start_2:
0xcd: {  	(tag) =	ssettag $0x2  }
0xce: {  	s0 =	rddreg [dreg:$0x0];
	s2 =	stileid.u32  }
0xcf: {  	s1 =	rddreg [dreg:$0x1];
	p0 =	sne.s32 s2, $0x0  }
0xd0: {  	s3 =	rddreg [dreg:$0x2];
	[bflag:$0x3] =	sbarrier.arrive $0xFFFF;
	s2 =	simm.s32 @!p0 $0x1C05  }
0xd1: {  	[timem:s3], [sflag:s2] =	dma.local @!p0 [hbm:s0], s1  }
0xd2: {  	s0 =	simm.s32 @!p0 $0x5  }
0xd3: {  	_ =	swait.ge @!p0 [sflag:s0], s1  }
0xd4: {  	s1 =	ssub.s32 @!p0 $0x0, s1;
	[sflag:s0] =	ssyncset.done @!p0 $0x0  }
0xd5: {  	[sflag:s0] =	ssyncadd.s32 @!p0 s1  }
0xd6: {  	[bflag:$0x3] =	sbarrier.arrive $0xFFFF  }
0xd7: {  	_ =	shalt  }

</sc_bundles>
